<compile_context>
chip_gen: v7x
topology: tpu7x:2x2x1
jax: 0.10.2.dev20260603
libtpu: 0.0.44.dev20260713+nightly
codegen_flags: <defaults>
</compile_context>

<pallas_src>
import functools

import jax
import jax.numpy as jnp
from jax import lax
from jax.experimental import pallas as pl
from jax.experimental.pallas import tpu as pltpu
from jax.experimental.pallas import tpu_sc as plsc

_BIG = 1e30
_CHUNK = 128
_GB = 32
_NCC = 512
_CCAP = 1024
_KNN = 32


def _recip(x):
    y = 1.0 / x
    y = y * (2.0 - x * y)
    y = y * (2.0 - x * y)
    return y


def _rowsum8_lane(t):
    acc = t[:, 0:8]
    for i in range(1, 16):
        acc = acc + t[:, 8 * i:8 * i + 8]
    a4 = acc[:, 0:4] + acc[:, 4:8]
    a2 = a4[:, 0:2] + a4[:, 2:4]
    return a2[:, 0:1] + a2[:, 1:2]


def _colsum8_sub(t):
    acc = t[0:8, :]
    for i in range(1, 16):
        acc = acc + t[8 * i:8 * i + 8, :]
    a4 = acc[0:4, :] + acc[4:8, :]
    a2 = a4[0:2, :] + a4[2:4, :]
    return a2[0:1, :] + a2[1:2, :]


def _k1_body(obs_ref, keyst_ref, w1_ref, b1_ref, w2_ref, b2_ref,
             w3_ref, b3_ref, d2_ref, minis_ref, qnet_ref, qs_scr,
             ks_scr, *, cap, ck):
    j = pl.program_id(0)
    nj = pl.num_programs(0)
    i = pl.program_id(1)
    obs = obs_ref[...]
    kt = keyst_ref[...]
    bm = obs.shape[0]

    @pl.when(j == 0)
    def _():
        qs_scr[pl.ds(i * bm, bm), :] = _rowsum8_lane(obs * obs)

    @pl.when(i == 0)
    def _():
        ks_scr[...] = _colsum8_sub(kt * kt)
    q_sq = qs_scr[pl.ds(i * bm, bm), :]
    k_sq = ks_scr[...]
    cross = lax.dot_general(obs, kt, (((1,), (0,)), ((), ())),
                            preferred_element_type=jnp.float32)
    d2 = (q_sq - 2.0 * cross) + k_sq
    nch = ck // _CHUNK

    def finish(d2x):
        bm = d2x.shape[0]
        d3 = d2x.reshape(bm, nch, _CHUNK)
        d2_ref[...] = d3
        minis_ref[...] = jnp.min(d3, axis=2)[None]

    @pl.when(j == nj - 1)
    def _():
        col = j * ck + lax.broadcasted_iota(jnp.int32, d2.shape, 1)
        finish(jnp.where(col >= cap, _BIG, d2))

    @pl.when(j != nj - 1)
    def _():
        finish(d2)

    h = jnp.maximum(lax.dot_general(obs, w1_ref[...], (((1,), (0,)), ((), ())),
                                    preferred_element_type=jnp.float32)
                    + b1_ref[0:1, :], 0.0)
    h = jnp.maximum(lax.dot_general(h, w2_ref[...], (((1,), (0,)), ((), ())),
                                    preferred_element_type=jnp.float32)
                    + b2_ref[0:1, :], 0.0)
    qnet_ref[...] = lax.dot_general(h, w3_ref[...], (((1,), (0,)), ((), ())),
                                    preferred_element_type=jnp.float32) + b3_ref[0:1, :]


def _dist_stage(obs, keys_t, w1, b1r, w2, b2r, w3p, b3r, *, cap, bm,
                ck, interpret=False):
    b, d = obs.shape
    cpad = keys_t.shape[1]
    hid = w1.shape[1]
    nj, ni = cpad // ck, b // bm
    nch = ck // _CHUNK
    nchunk = cpad // _CHUNK
    return pl.pallas_call(
        functools.partial(_k1_body, cap=cap, ck=ck),
        grid=(nj, ni),
        in_specs=[
            pl.BlockSpec((bm, d), lambda j, i: (i, 0)),
            pl.BlockSpec((d, ck), lambda j, i: (0, j)),
            pl.BlockSpec((d, hid), lambda j, i: (0, 0)),
            pl.BlockSpec((8, hid), lambda j, i: (0, 0)),
            pl.BlockSpec((hid, hid), lambda j, i: (0, 0)),
            pl.BlockSpec((8, hid), lambda j, i: (0, 0)),
            pl.BlockSpec((hid, 128), lambda j, i: (0, 0)),
            pl.BlockSpec((8, 128), lambda j, i: (0, 0)),
        ],
        out_specs=[
            pl.BlockSpec((bm, nch, _CHUNK), lambda j, i: (i, j, 0)),
            pl.BlockSpec((1, bm, nch), lambda j, i: (j, i, 0)),
            pl.BlockSpec((bm, 128), lambda j, i: (i, 0)),
        ],
        out_shape=[
            jax.ShapeDtypeStruct((b, nchunk, _CHUNK), jnp.float32),
            jax.ShapeDtypeStruct((nj, b, nch), jnp.float32),
            jax.ShapeDtypeStruct((b, 128), jnp.float32),
        ],
        scratch_shapes=[pltpu.VMEM((b, 1), jnp.float32),
                        pltpu.VMEM((1, ck), jnp.float32)],
        interpret=interpret,
    )(obs, keys_t, w1, b1r, w2, b2r, w3p, b3r)


def _knn_stage(d2c, minis, qvals_p, qnet, *, ac, interpret=False):
    b, nchunk = minis.shape
    nw = 32
    rpw = b // nw
    nvm = nchunk // 16
    mesh = plsc.VectorSubcoreMesh(core_axis_name="c", subcore_axis_name="s",
                                  num_cores=2, num_subcores=16)

    @functools.partial(
        pl.kernel,
        out_type=[jax.ShapeDtypeStruct((b, 16), jnp.float32),
                  jax.ShapeDtypeStruct((b,), jnp.int32)],
        mesh=mesh,
        scratch_types=[
            pltpu.VMEM((nchunk,), jnp.float32),
            pltpu.VMEM((_NCC + 32,), jnp.int32),
            pltpu.VMEM((_NCC, _CHUNK), jnp.float32),
            pltpu.VMEM((_CCAP + 16,), jnp.float32),
            pltpu.VMEM((_CCAP + 16,), jnp.int32),
            pltpu.VMEM((_KNN,), jnp.float32),
            pltpu.VMEM((_KNN,), jnp.int32),
            pltpu.VMEM((_KNN,), jnp.float32),
            pltpu.VMEM((_KNN, 128), jnp.float32),
            pltpu.VMEM((rpw, 16), jnp.float32),
            pltpu.VMEM((rpw,), jnp.int32),
            pltpu.VMEM((128,), jnp.float32),
            pltpu.SemaphoreType.DMA,
        ],
        compiler_params=pltpu.CompilerParams(needs_layout_passes=False),
        interpret=interpret,
    )
    def k2(d2c_h, minis_h, qvals_h, qnet_h, q16_h, act_h,
           mrow, cidx, gbuf, cval, cgix, vbuf, ibuf, wbuf, qrows, qout,
           actb, qn128, sem):
        cci = lax.axis_index("c")
        ssi = lax.axis_index("s")
        wid = ssi * 2 + cci
        base = wid * rpw
        iota16 = lax.iota(jnp.int32, 16)
        lane0 = iota16 == 0

        def row_body(rl, carry):
            r = base + rl
            rn = r * nchunk
            pltpu.sync_copy(minis_h.at[r], mrow)

            def pa(i, c):
                m1, m2 = c
                v = mrow[pl.ds(i * 16, 16)]
                lo = jnp.minimum(m1, v)
                hi = jnp.maximum(m1, v)
                return lo, jnp.minimum(m2, hi)
            _, m2 = lax.fori_loop(0, nvm, pa,
                                  (jnp.full((16,), _BIG, jnp.float32),
                                   jnp.full((16,), _BIG, jnp.float32)))
            t0 = jnp.max(m2)

            padid = rn + (nchunk - 1)

            def pb(i, cnt):
                v = mrow[pl.ds(i * 16, 16)]
                m = v <= t0
                pc = jnp.sum(m.astype(jnp.int32))
                ids = (rn + i * 16) + iota16
                plsc.store_compressed(cidx.at[pl.ds(jnp.minimum(cnt, _NCC - 16), 16)],
                                      ids, mask=m)
                return jnp.minimum(cnt + pc, _NCC - 16)
            cnt = lax.fori_loop(0, nvm, pb, jnp.int32(0))
            cidx[pl.ds(cnt, 16)] = jnp.broadcast_to(padid, (16,))
            cidx[pl.ds(cnt + 16, 16)] = jnp.broadcast_to(padid, (16,))

            nblk = (cnt + (_GB - 1)) >> 5
            def gf(bi, _):
                o = bi * _GB
                pltpu.async_copy(d2c_h.at[cidx.at[pl.ds(o, _GB)]],
                                 gbuf.at[pl.ds(o, _GB)], sem)
                return 0
            lax.fori_loop(0, nblk, gf, 0)
            def gd(bi, _):
                pltpu.make_async_copy(d2c_h.at[cidx.at[pl.ds(0, _GB)]],
                                      gbuf.at[pl.ds(0, _GB)], sem).wait()
                return 0
            lax.fori_loop(0, nblk, gd, 0)

            def pc_(jc, ccnt):
                jv = jnp.broadcast_to(jc, (16,))
                cidv = plsc.load_gather(cidx, [jv])
                ebase = (cidv - rn) * _CHUNK
                for u in range(_CHUNK // 16):
                    v = plsc.load_gather(gbuf, [jv, (u * 16) + iota16])
                    m = v <= t0
                    pcn = jnp.sum(m.astype(jnp.int32))
                    ei = ebase + ((u * 16) + iota16)
                    cc = jnp.minimum(ccnt, _CCAP - 16)
                    plsc.store_compressed(cval.at[pl.ds(cc, 16)], v, mask=m)
                    plsc.store_compressed(cgix.at[pl.ds(cc, 16)], ei, mask=m)
                    ccnt = jnp.minimum(ccnt + pcn, _CCAP - 16)
                return ccnt
            ccnt = lax.fori_loop(0, cnt, pc_, jnp.int32(0))
            cval[pl.ds(ccnt, 16)] = jnp.full((16,), _BIG, jnp.float32)
            nvc = (ccnt + 15) >> 4

            def ext(k, _):
                def sc1(i, c):
                    vm, pm = c
                    v = cval[pl.ds(i * 16, 16)]
                    p = (i * 16) + iota16
                    upd = v < vm
                    return jnp.where(upd, v, vm), jnp.where(upd, p, pm)
                vm, pm = lax.fori_loop(
                    0, nvc, sc1, (jnp.full((16,), _BIG, jnp.float32),
                                  jnp.full((16,), 2**30, jnp.int32)))
                mval = jnp.min(vm)
                pos = jnp.min(jnp.where(vm == mval, pm, jnp.int32(2**30)))
                posv = jnp.broadcast_to(pos, (16,))
                gv = plsc.load_gather(cgix, [posv])
                kv = jnp.broadcast_to(k, (16,))
                plsc.store_scatter(vbuf, [kv], jnp.broadcast_to(mval, (16,)), mask=lane0)
                plsc.store_scatter(ibuf, [kv], gv, mask=lane0)
                plsc.store_scatter(cval, [posv],
                                   jnp.full((16,), _BIG, jnp.float32), mask=lane0)
                return 0
            lax.fori_loop(0, _KNN, ext, 0)

            v0 = vbuf[pl.ds(0, 16)]
            v1 = vbuf[pl.ds(16, 16)]
            w0 = _recip(v0 + 1e-3)
            w1 = _recip(v1 + 1e-3)
            s = jnp.sum(w0) + jnp.sum(w1)
            sinv = _recip(jnp.broadcast_to(s, (16,)))
            wbuf[pl.ds(0, 16)] = w0 * sinv
            wbuf[pl.ds(16, 16)] = w1 * sinv

            pltpu.async_copy(qvals_h.at[ibuf], qrows, sem).wait()
            def acc(jn, qa):
                jv = jnp.broadcast_to(jn, (16,))
                wv = plsc.load_gather(wbuf, [jv])
                qv = plsc.load_gather(qrows, [jv, iota16])
                return qa + wv * qv
            qa = lax.fori_loop(0, _KNN, acc, jnp.zeros((16,), jnp.float32))

            pltpu.sync_copy(qnet_h.at[r], qn128)
            q = 0.5 * (qa + qn128[pl.ds(0, 16)])
            plsc.store_scatter(qout, [jnp.broadcast_to(rl, (16,)), iota16], q)
            qm = jnp.where(iota16 < ac, q, -_BIG)
            mx = jnp.max(qm)
            av = jnp.min(jnp.where(qm == mx, iota16, jnp.int32(64)))
            plsc.store_scatter(actb, [jnp.broadcast_to(rl, (16,))],
                               jnp.broadcast_to(av, (16,)), mask=lane0)
            return carry

        lax.fori_loop(0, rpw, row_body, 0)
        pltpu.sync_copy(qout, q16_h.at[pl.ds(base, rpw)])
        pltpu.sync_copy(actb, act_h.at[pl.ds(base, rpw)])

    return k2(d2c, minis, qvals_p, qnet)


def kernel(observation, mem_keys, mem_qvals, W1, b1, W2, b2, W3, b3):
    b, d = observation.shape
    cap = mem_keys.shape[0]
    ac = mem_qvals.shape[1]
    hid = W1.shape[1]
    ck = 2048
    bm = 256
    cpad = ((cap + _CHUNK) + ck - 1) // ck * ck
    keys_t = jnp.pad(mem_keys, ((0, cpad - cap), (0, 0))).T
    qvals_p = jnp.pad(mem_qvals, ((0, cpad - cap), (0, 128 - ac)))
    b1r = jnp.broadcast_to(b1[None, :], (8, hid))
    b2r = jnp.broadcast_to(b2[None, :], (8, hid))
    w3p = jnp.pad(W3, ((0, 0), (0, 128 - ac)))
    b3r = jnp.broadcast_to(jnp.pad(b3, (0, 128 - ac))[None, :], (8, 128))
    d2c3, minis3, qnet = _dist_stage(observation, keys_t, W1,
                                     b1r, W2, b2r, w3p, b3r, cap=cap,
                                     bm=bm, ck=ck)
    minis = minis3.transpose(1, 0, 2).reshape(b, cpad // _CHUNK)
    d2c = d2c3.reshape(b * (cpad // _CHUNK), _CHUNK)
    q16, act = _knn_stage(d2c, minis, qvals_p, qnet, ac=ac)
    return q16[:, :ac], act

# --- scband reference (transcript-rebuilt; emitter-appended) ---
"""Pipeline reference for scband-mlppolicy-mf-10213432230162 (READ-ONLY COPY).

The authoritative reference and input builder live on the scoring server;
editing this copy changes nothing except your own understanding.
"""

import jax, jax.numpy as jnp
import numpy as np

B = 1024
OB_DIM = 128
AC_DIM = 6
CAP = 100000
KNN = 32
HID = 64

def setup_inputs(seed: int = 0) -> dict:
    key = jax.random.key(seed)
    ks = jax.random.split(key, 10)
    observation = jax.random.normal(ks[0], (B, OB_DIM), dtype=jnp.float32)
    # QECTable episodic memory: stored states and per-action Q returns
    mem_keys = jax.random.normal(ks[1], (CAP, OB_DIM), dtype=jnp.float32)
    mem_qvals = jax.random.normal(ks[2], (CAP, AC_DIM), dtype=jnp.float32)
    # q_net = Linear(ob_dim,64) -> ReLU -> Linear(64,64) -> ReLU -> Linear(64,ac_dim)
    W1 = jax.random.normal(ks[3], (OB_DIM, HID), dtype=jnp.float32) * (1.0 / np.sqrt(OB_DIM))
    b1 = jnp.zeros((HID,), dtype=jnp.float32)
    W2 = jax.random.normal(ks[4], (HID, HID), dtype=jnp.float32) * (1.0 / np.sqrt(HID))
    b2 = jnp.zeros((HID,), dtype=jnp.float32)
    W3 = jax.random.normal(ks[5], (HID, AC_DIM), dtype=jnp.float32) * (1.0 / np.sqrt(HID))
    b3 = jnp.zeros((AC_DIM,), dtype=jnp.float32)
    return {"observation": observation, "mem_keys": mem_keys, "mem_qvals": mem_qvals,
            "W1": W1, "b1": b1, "W2": W2, "b2": b2, "W3": W3, "b3": b3}

def reference(observation, mem_keys, mem_qvals, W1, b1, W2, b2, W3, b3):
    # --- QECTable.get_max_qec_action: kNN retrieval over episodic memory ---
    # squared L2 distances between observations [B,D] and memory keys [C,D]
    q_sq = jnp.sum(observation * observation, axis=1, keepdims=True)      # [B,1]
    k_sq = jnp.sum(mem_keys * mem_keys, axis=1)                            # [C]
    cross = observation @ mem_keys.T                                        # [B,C]
    d2 = q_sq - 2.0 * cross + k_sq[None, :]                                 # [B,C]
    neg_d2, idx = jax.lax.top_k(-d2, KNN)                                   # [B,KNN]
    nn_d2 = -neg_d2
    # inverse-distance kernel weighting of the k nearest stored returns
    w = 1.0 / (nn_d2 + 1e-3)
    w = w / jnp.sum(w, axis=1, keepdims=True)                               # [B,KNN]
    nn_q = jnp.take(mem_qvals, idx, axis=0)                                 # [B,KNN,AC_DIM]
    q_table = jnp.sum(w[:, :, None] * nn_q, axis=1)                         # [B,AC_DIM]
    # --- parametric q_net pass (use_q_net=True) ---
    h = jax.nn.relu(observation @ W1 + b1)
    h = jax.nn.relu(h @ W2 + b2)
    q_net = h @ W3 + b3                                                     # [B,AC_DIM]
    q = 0.5 * (q_table + q_net)
    action = jnp.argmax(q, axis=1)
    return (q, action)

if __name__ == "__main__":
    import jax
    _d = setup_inputs()
    print(jax.jit(kernel)(*tuple(_d.values())))

</pallas_src>

<mosaic_0001>
#map = affine_map<(d0, d1) -> (0, 0)>
#map1 = affine_map<(d0, d1) -> (0)>
module attributes {stable_mosaic.version = 14 : i64} {
  func.func @k2(%arg0: i32, %arg1: i32, %arg2: memref<802816x128xf32, #tpu.memory_space<hbm>>, %arg3: memref<1024x784xf32, #tpu.memory_space<hbm>>, %arg4: memref<100352x128xf32, #tpu.memory_space<hbm>>, %arg5: memref<1024x128xf32, #tpu.memory_space<hbm>>, %arg6: memref<1024x16xf32, #tpu.memory_space<hbm>>, %arg7: memref<1024xi32, #tpu.memory_space<hbm>>, %arg8: memref<784xf32, #tpu.memory_space<vmem>>, %arg9: memref<544xi32, #tpu.memory_space<vmem>>, %arg10: memref<512x128xf32, #tpu.memory_space<vmem>>, %arg11: memref<1040xf32, #tpu.memory_space<vmem>>, %arg12: memref<1040xi32, #tpu.memory_space<vmem>>, %arg13: memref<32xf32, #tpu.memory_space<vmem>>, %arg14: memref<32xi32, #tpu.memory_space<vmem>>, %arg15: memref<32xf32, #tpu.memory_space<vmem>>, %arg16: memref<32x128xf32, #tpu.memory_space<vmem>>, %arg17: memref<32x16xf32, #tpu.memory_space<vmem>>, %arg18: memref<32xi32, #tpu.memory_space<vmem>>, %arg19: memref<128xf32, #tpu.memory_space<vmem>>, %arg20: memref<!tpu.dma_semaphore, #tpu.memory_space<semaphore_mem>>) attributes {dimension_semantics = [#tpu.dimension_semantics<core_parallel>, #tpu.dimension_semantics<subcore_parallel>], iteration_bounds = array<i64: 2, 16>, scalar_prefetch = 0 : i64, scratch_operands = 13 : i64, tpu.core_type = #tpu.core_type<sc_vector_subcore>, window_params = [{transform_indices = #map}, {transform_indices = #map}, {transform_indices = #map}, {transform_indices = #map}, {transform_indices = #map}, {transform_indices = #map1}]} {
    %mul3A = arith.constant 2 : i32
    %mul3A_0 = arith.muli %arg1, %mul3A : i32
    %add3A = arith.addi %mul3A_0, %arg0 : i32
    %mul3A_1 = arith.constant 32 : i32
    %mul3A_2 = arith.muli %add3A, %mul3A_1 : i32
    %iota3A = tpu.iota {dimensions = array<i32: 0>} : vector<16xi32>
    %eq3A = arith.constant 0 : i32
    %eq3A_3 = vector.broadcast %eq3A : i32 to vector<16xi32>
    %eq3A_4 = arith.cmpi eq, %iota3A, %eq3A_3 : vector<16xi32>
    %scan3A = arith.constant 0 : i32
    %scan3A_5 = arith.constant 0 : i32
    %scan3A_6 = arith.constant 32 : i32
    %scan3A_7 = arith.addi %scan3A_5, %scan3A_6 : i32
    %scan3A_8 = arith.constant 1 : i32
    scf.for %scan3A_10 = %scan3A_5 to %scan3A_7 step %scan3A_8  : i32 {
      %add3A_11 = arith.addi %mul3A_2, %scan3A_10 : i32
      %mul3A_12 = arith.constant 784 : i32
      %mul3A_13 = arith.muli %add3A_11, %mul3A_12 : i32
      "tpu.region"() ({
        %run_scoped3A = tpu.sem_alloc : memref<!tpu.dma_semaphore, #tpu.memory_space<semaphore_mem>>
        %dma_start3A_196 = arith.constant 0 : i32
        %dma_start3A_197 = tpu.memref_slice %arg3[%add3A_11, %dma_start3A_196] : memref<1024x784xf32, #tpu.memory_space<hbm>> -> memref<1x784xf32, #tpu.memory_space<hbm>>
        %dma_start3A_198 = tpu.memref_squeeze %dma_start3A_197 : memref<1x784xf32, #tpu.memory_space<hbm>> -> memref<784xf32, #tpu.memory_space<hbm>>
        %dma_start3A_199 = arith.constant 0 : i32
        %dma_start3A_200 = tpu.memref_slice %arg3[%add3A_11, %dma_start3A_199] : memref<1024x784xf32, #tpu.memory_space<hbm>> -> memref<1x784xf32, #tpu.memory_space<hbm>>
        %dma_start3A_201 = tpu.memref_squeeze %dma_start3A_200 : memref<1x784xf32, #tpu.memory_space<hbm>> -> memref<784xf32, #tpu.memory_space<hbm>>
        tpu.enqueue_dma source(%dma_start3A_201 : memref<784xf32, #tpu.memory_space<hbm>>) target(%arg8 : memref<784xf32, #tpu.memory_space<vmem>>) target_semaphore(%run_scoped3A : memref<!tpu.dma_semaphore, #tpu.memory_space<semaphore_mem>>)
        %dma_wait3A_202 = arith.constant 0 : i32
        %dma_wait3A_203 = tpu.memref_slice %arg3[%add3A_11, %dma_wait3A_202] : memref<1024x784xf32, #tpu.memory_space<hbm>> -> memref<1x784xf32, #tpu.memory_space<hbm>>
        %dma_wait3A_204 = tpu.memref_squeeze %dma_wait3A_203 : memref<1x784xf32, #tpu.memory_space<hbm>> -> memref<784xf32, #tpu.memory_space<hbm>>
        %dma_wait3A_205 = arith.constant 0 : i32
        %dma_wait3A_206 = tpu.memref_slice %arg3[%add3A_11, %dma_wait3A_205] : memref<1024x784xf32, #tpu.memory_space<hbm>> -> memref<1x784xf32, #tpu.memory_space<hbm>>
        %dma_wait3A_207 = tpu.memref_squeeze %dma_wait3A_206 : memref<1x784xf32, #tpu.memory_space<hbm>> -> memref<784xf32, #tpu.memory_space<hbm>>
        tpu.wait_dma2 semaphore(%run_scoped3A : memref<!tpu.dma_semaphore, #tpu.memory_space<semaphore_mem>>) src(%dma_wait3A_207 : memref<784xf32, #tpu.memory_space<hbm>>) dst(%arg8 : memref<784xf32, #tpu.memory_space<vmem>>)
        tpu.yield
      }) : () -> ()
      %broadcast_in_dim3A = arith.constant 1.000000e+30 : f32
      %broadcast_in_dim3A_14 = vector.broadcast %broadcast_in_dim3A : f32 to vector<16xf32>
      %broadcast_in_dim3A_15 = arith.constant 1.000000e+30 : f32
      %broadcast_in_dim3A_16 = vector.broadcast %broadcast_in_dim3A_15 : f32 to vector<16xf32>
      %scan3A_17 = arith.constant 0 : i32
      %scan3A_18 = arith.constant 49 : i32
      %scan3A_19 = arith.addi %scan3A_17, %scan3A_18 : i32
      %scan3A_20 = arith.constant 1 : i32
      %scan3A_21:2 = scf.for %scan3A_196 = %scan3A_17 to %scan3A_19 step %scan3A_20 iter_args(%scan3A_197 = %broadcast_in_dim3A_14, %scan3A_198 = %broadcast_in_dim3A_16) -> (vector<16xf32>, vector<16xf32>)  : i32 {
        %mul3A_199 = arith.constant 16 : i32
        %mul3A_200 = arith.muli %scan3A_196, %mul3A_199 : i32
        %get3A_201 = arith.index_cast %mul3A_200 : i32 to index
        %get3A_202 = tpu.vector_load %arg8[%get3A_201] {strides = array<i32>} : memref<784xf32, #tpu.memory_space<vmem>>, vector<16xf32>,
        %min3A = arith.minimumf %scan3A_197, %get3A_202 : vector<16xf32>
        %max3A = arith.maximumf %scan3A_197, %get3A_202 : vector<16xf32>
        %min3A_203 = arith.minimumf %scan3A_198, %max3A : vector<16xf32>
        scf.yield %min3A, %min3A_203 : vector<16xf32>, vector<16xf32>
      }
      %scan3A_22 = arith.constant 49 : i32
      %reduce_max3A = arith.constant true
      %reduce_max3A_23 = vector.broadcast %reduce_max3A : i1 to vector<16xi1>
      %reduce_max3A_24 = tpu.scan <max>, %scan3A_21#1 masked %reduce_max3A_23 : vector<16xf32>, vector<16xi1> -> vector<16xf32>
      %reduce_max3A_25 = vector.extract %reduce_max3A_24[15] : f32 from vector<16xf32>
      %add3A_26 = arith.constant 783 : i32
      %add3A_27 = arith.addi %mul3A_13, %add3A_26 : i32
      %scan3A_28 = arith.constant 0 : i32
      %scan3A_29 = arith.constant 0 : i32
      %scan3A_30 = arith.constant 49 : i32
      %scan3A_31 = arith.addi %scan3A_29, %scan3A_30 : i32
      %scan3A_32 = arith.constant 1 : i32
      %scan3A_33 = scf.for %scan3A_196 = %scan3A_29 to %scan3A_31 step %scan3A_32 iter_args(%scan3A_197 = %scan3A_28) -> (i32)  : i32 {
        %mul3A_198 = arith.constant 16 : i32
        %mul3A_199 = arith.muli %scan3A_196, %mul3A_198 : i32
        %get3A_200 = arith.index_cast %mul3A_199 : i32 to index
        %get3A_201 = tpu.vector_load %arg8[%get3A_200] {strides = array<i32>} : memref<784xf32, #tpu.memory_space<vmem>>, vector<16xf32>,
        %le3A = vector.broadcast %reduce_max3A_25 : f32 to vector<16xf32>
        %le3A_202 = arith.cmpf ole, %get3A_201, %le3A : vector<16xf32>
        %convert_element_type3A = arith.extui %le3A_202 : vector<16xi1> to vector<16xi32>
        %reduce_sum3A_203 = arith.constant true
        %reduce_sum3A_204 = vector.broadcast %reduce_sum3A_203 : i1 to vector<16xi1>
        %reduce_sum3A_205 = tpu.scan <sum>, %convert_element_type3A masked %reduce_sum3A_204 : vector<16xi32>, vector<16xi1> -> vector<16xi32>
        %reduce_sum3A_206 = vector.extract %reduce_sum3A_205[15] : i32 from vector<16xi32>
        %mul3A_207 = arith.constant 16 : i32
        %mul3A_208 = arith.muli %scan3A_196, %mul3A_207 : i32
        %add3A_209 = arith.addi %mul3A_13, %mul3A_208 : i32
        %add3A_210 = vector.broadcast %add3A_209 : i32 to vector<16xi32>
        %add3A_211 = arith.addi %add3A_210, %iota3A : vector<16xi32>
        %min3A = arith.constant 496 : i32
        %min3A_212 = arith.minsi %scan3A_197, %min3A : i32
        %swap3A_213 = arith.index_cast %min3A_212 : i32 to index
        %swap3A_214 = tpu.vector_load %arg9[%swap3A_213] masked %le3A_202 {strides = array<i32>} : memref<544xi32, #tpu.memory_space<vmem>>, vector<16xi32>, vector<16xi1>
        tpu.vector_store %arg9[%swap3A_213], %add3A_211 masked %le3A_202 {strides = array<i32>} : memref<544xi32, #tpu.memory_space<vmem>>, vector<16xi32>, vector<16xi1>
        %add3A_215 = arith.addi %scan3A_197, %reduce_sum3A_206 : i32
        %min3A_216 = arith.constant 496 : i32
        %min3A_217 = arith.minsi %add3A_215, %min3A_216 : i32
        scf.yield %min3A_217 : i32
      }
      %scan3A_34 = arith.constant 49 : i32
      %broadcast_in_dim3A_35 = vector.broadcast %add3A_27 : i32 to vector<16xi32>
      %swap3A = arith.index_cast %scan3A_33 : i32 to index
      %swap3A_36 = tpu.vector_load %arg9[%swap3A] {strides = array<i32>} : memref<544xi32, #tpu.memory_space<vmem>>, vector<16xi32>,
      tpu.vector_store %arg9[%swap3A], %broadcast_in_dim3A_35 {strides = array<i32>} : memref<544xi32, #tpu.memory_space<vmem>>, vector<16xi32>,
      %broadcast_in_dim3A_37 = vector.broadcast %add3A_27 : i32 to vector<16xi32>
      %add3A_38 = arith.constant 16 : i32
      %add3A_39 = arith.addi %scan3A_33, %add3A_38 : i32
      %swap3A_40 = arith.index_cast %add3A_39 : i32 to index
      %swap3A_41 = tpu.vector_load %arg9[%swap3A_40] {strides = array<i32>} : memref<544xi32, #tpu.memory_space<vmem>>, vector<16xi32>,
      tpu.vector_store %arg9[%swap3A_40], %broadcast_in_dim3A_37 {strides = array<i32>} : memref<544xi32, #tpu.memory_space<vmem>>, vector<16xi32>,
      %add3A_42 = arith.constant 31 : i32
      %add3A_43 = arith.addi %scan3A_33, %add3A_42 : i32
      %shift_right_arithmetic3A = arith.constant 5 : i32
      %shift_right_arithmetic3A_44 = arith.shrsi %add3A_43, %shift_right_arithmetic3A : i32
      %while3A = arith.constant 0 : i32
      %while3A_45 = arith.constant 0 : i32
      %while3A_46 = arith.subi %shift_right_arithmetic3A_44, %while3A : i32
      %while3A_47 = arith.addi %while3A, %while3A_46 : i32
      %while3A_48 = arith.constant 1 : i32
      %while3A_49 = arith.divsi %while3A_46, %while3A_48 : i32
      %while3A_50 = arith.muli %while3A_49, %while3A_48 : i32
      %while3A_51 = arith.addi %while3A, %while3A_50 : i32
      %while3A_52 = arith.constant 1 : i32
      %while3A_53 = scf.for %while3A_196 = %while3A to %while3A_51 step %while3A_52 iter_args(%while3A_197 = %while3A_45) -> (i32)  : i32 {
        %mul3A_198 = arith.constant 32 : i32
        %mul3A_199 = arith.muli %while3A_196, %mul3A_198 : i32
        %dma_start3A_200 = arith.constant 0 : i32
        %dma_start3A_201 = tpu.memref_slice %arg10[%mul3A_199, %dma_start3A_200] : memref<512x128xf32, #tpu.memory_space<vmem>> -> memref<32x128xf32, #tpu.memory_space<vmem>>
        %dma_start3A_202 = tpu.memref_slice %arg9[%mul3A_199] : memref<544xi32, #tpu.memory_space<vmem>> -> memref<32xi32, #tpu.memory_space<vmem>>
        %dma_start3A_203 = arith.constant 0 : i32
        %dma_start3A_204 = arith.constant 0 : i32
        %dma_start3A_205 = tpu.memref_slice %arg2[%dma_start3A_203, %dma_start3A_204] : memref<802816x128xf32, #tpu.memory_space<hbm>> -> memref<802816x128xf32, #tpu.memory_space<hbm>>
        tpu.enqueue_indirect_dma source(%dma_start3A_205 : memref<802816x128xf32, #tpu.memory_space<hbm>>) target(%dma_start3A_201 : memref<32x128xf32, #tpu.memory_space<vmem>>) offsets(%dma_start3A_202 : memref<32xi32, #tpu.memory_space<vmem>>) semaphore(%arg20 : memref<!tpu.dma_semaphore, #tpu.memory_space<semaphore_mem>>)
        %while3A_206 = arith.constant 0 : i32
        scf.yield %while3A_206 : i32
      }
      %while3A_54 = arith.constant 1 : i32
      %while3A_55 = scf.for %while3A_196 = %while3A_51 to %while3A_47 step %while3A_54 iter_args(%while3A_197 = %while3A_53) -> (i32)  : i32 {
        %mul3A_198 = arith.constant 32 : i32
        %mul3A_199 = arith.muli %while3A_196, %mul3A_198 : i32
        %dma_start3A_200 = arith.constant 0 : i32
        %dma_start3A_201 = tpu.memref_slice %arg10[%mul3A_199, %dma_start3A_200] : memref<512x128xf32, #tpu.memory_space<vmem>> -> memref<32x128xf32, #tpu.memory_space<vmem>>
        %dma_start3A_202 = tpu.memref_slice %arg9[%mul3A_199] : memref<544xi32, #tpu.memory_space<vmem>> -> memref<32xi32, #tpu.memory_space<vmem>>
        %dma_start3A_203 = arith.constant 0 : i32
        %dma_start3A_204 = arith.constant 0 : i32
        %dma_start3A_205 = tpu.memref_slice %arg2[%dma_start3A_203, %dma_start3A_204] : memref<802816x128xf32, #tpu.memory_space<hbm>> -> memref<802816x128xf32, #tpu.memory_space<hbm>>
        tpu.enqueue_indirect_dma source(%dma_start3A_205 : memref<802816x128xf32, #tpu.memory_space<hbm>>) target(%dma_start3A_201 : memref<32x128xf32, #tpu.memory_space<vmem>>) offsets(%dma_start3A_202 : memref<32xi32, #tpu.memory_space<vmem>>) semaphore(%arg20 : memref<!tpu.dma_semaphore, #tpu.memory_space<semaphore_mem>>)
        %while3A_206 = arith.constant 0 : i32
        scf.yield %while3A_206 : i32
      }
      %while3A_56 = arith.constant 0 : i32
      %while3A_57 = arith.constant 0 : i32
      %while3A_58 = arith.subi %shift_right_arithmetic3A_44, %while3A_56 : i32
      %while3A_59 = arith.addi %while3A_56, %while3A_58 : i32
      %while3A_60 = arith.constant 1 : i32
      %while3A_61 = arith.divsi %while3A_58, %while3A_60 : i32
      %while3A_62 = arith.muli %while3A_61, %while3A_60 : i32
      %while3A_63 = arith.addi %while3A_56, %while3A_62 : i32
      %while3A_64 = arith.constant 1 : i32
      %while3A_65 = scf.for %while3A_196 = %while3A_56 to %while3A_63 step %while3A_64 iter_args(%while3A_197 = %while3A_57) -> (i32)  : i32 {
        %dma_wait3A_198 = arith.constant 0 : i32
        %dma_wait3A_199 = arith.constant 0 : i32
        %dma_wait3A_200 = tpu.memref_slice %arg10[%dma_wait3A_198, %dma_wait3A_199] : memref<512x128xf32, #tpu.memory_space<vmem>> -> memref<32x128xf32, #tpu.memory_space<vmem>>
        %dma_wait3A_201 = arith.constant 0 : i32
        %dma_wait3A_202 = tpu.memref_slice %arg9[%dma_wait3A_201] : memref<544xi32, #tpu.memory_space<vmem>> -> memref<32xi32, #tpu.memory_space<vmem>>
        %dma_wait3A_203 = arith.constant 0 : i32
        %dma_wait3A_204 = arith.constant 0 : i32
        %dma_wait3A_205 = tpu.memref_slice %arg2[%dma_wait3A_203, %dma_wait3A_204] : memref<802816x128xf32, #tpu.memory_space<hbm>> -> memref<802816x128xf32, #tpu.memory_space<hbm>>
        tpu.wait_indirect_dma semaphore(%arg20 : memref<!tpu.dma_semaphore, #tpu.memory_space<semaphore_mem>>) src(%dma_wait3A_205 : memref<802816x128xf32, #tpu.memory_space<hbm>>) dst(%dma_wait3A_200 : memref<32x128xf32, #tpu.memory_space<vmem>>)
        %while3A_206 = arith.constant 0 : i32
        scf.yield %while3A_206 : i32
      }
      %while3A_66 = arith.constant 1 : i32
      %while3A_67 = scf.for %while3A_196 = %while3A_63 to %while3A_59 step %while3A_66 iter_args(%while3A_197 = %while3A_65) -> (i32)  : i32 {
        %dma_wait3A_198 = arith.constant 0 : i32
        %dma_wait3A_199 = arith.constant 0 : i32
        %dma_wait3A_200 = tpu.memref_slice %arg10[%dma_wait3A_198, %dma_wait3A_199] : memref<512x128xf32, #tpu.memory_space<vmem>> -> memref<32x128xf32, #tpu.memory_space<vmem>>
        %dma_wait3A_201 = arith.constant 0 : i32
        %dma_wait3A_202 = tpu.memref_slice %arg9[%dma_wait3A_201] : memref<544xi32, #tpu.memory_space<vmem>> -> memref<32xi32, #tpu.memory_space<vmem>>
        %dma_wait3A_203 = arith.constant 0 : i32
        %dma_wait3A_204 = arith.constant 0 : i32
        %dma_wait3A_205 = tpu.memref_slice %arg2[%dma_wait3A_203, %dma_wait3A_204] : memref<802816x128xf32, #tpu.memory_space<hbm>> -> memref<802816x128xf32, #tpu.memory_space<hbm>>
        tpu.wait_indirect_dma semaphore(%arg20 : memref<!tpu.dma_semaphore, #tpu.memory_space<semaphore_mem>>) src(%dma_wait3A_205 : memref<802816x128xf32, #tpu.memory_space<hbm>>) dst(%dma_wait3A_200 : memref<32x128xf32, #tpu.memory_space<vmem>>)
        %while3A_206 = arith.constant 0 : i32
        scf.yield %while3A_206 : i32
      }
      %while3A_68 = arith.constant 0 : i32
      %while3A_69 = arith.constant 0 : i32
      %while3A_70 = arith.subi %scan3A_33, %while3A_68 : i32
      %while3A_71 = arith.addi %while3A_68, %while3A_70 : i32
      %while3A_72 = arith.constant 1 : i32
      %while3A_73 = arith.divsi %while3A_70, %while3A_72 : i32
      %while3A_74 = arith.muli %while3A_73, %while3A_72 : i32
      %while3A_75 = arith.addi %while3A_68, %while3A_74 : i32
      %while3A_76 = arith.constant 1 : i32
      %while3A_77 = scf.for %while3A_196 = %while3A_68 to %while3A_75 step %while3A_76 iter_args(%while3A_197 = %while3A_69) -> (i32)  : i32 {
        %broadcast_in_dim3A_198 = vector.broadcast %while3A_196 : i32 to vector<16xi32>
        %gather3A = tpu.vector_load_idx %arg9[%broadcast_in_dim3A_198] : memref<544xi32, #tpu.memory_space<vmem>>[vector<16xi32>], vector<16xi32>,
        %sub3A_199 = vector.broadcast %mul3A_13 : i32 to vector<16xi32>
        %sub3A_200 = arith.subi %gather3A, %sub3A_199 : vector<16xi32>
        %mul3A_201 = arith.constant 128 : i32
        %mul3A_202 = vector.broadcast %mul3A_201 : i32 to vector<16xi32>
        %mul3A_203 = arith.muli %sub3A_200, %mul3A_202 : vector<16xi32>
        %add3A_204 = arith.constant 0 : i32
        %add3A_205 = vector.broadcast %add3A_204 : i32 to vector<16xi32>
        %add3A_206 = arith.addi %add3A_205, %iota3A : vector<16xi32>
        %gather3A_207 = tpu.vector_load_idx %arg10[%broadcast_in_dim3A_198, %add3A_206] : memref<512x128xf32, #tpu.memory_space<vmem>>[vector<16xi32>, vector<16xi32>], vector<16xf32>,
        %le3A = vector.broadcast %reduce_max3A_25 : f32 to vector<16xf32>
        %le3A_208 = arith.cmpf ole, %gather3A_207, %le3A : vector<16xf32>
        %convert_element_type3A = arith.extui %le3A_208 : vector<16xi1> to vector<16xi32>
        %reduce_sum3A_209 = arith.constant true
        %reduce_sum3A_210 = vector.broadcast %reduce_sum3A_209 : i1 to vector<16xi1>
        %reduce_sum3A_211 = tpu.scan <sum>, %convert_element_type3A masked %reduce_sum3A_210 : vector<16xi32>, vector<16xi1> -> vector<16xi32>
        %reduce_sum3A_212 = vector.extract %reduce_sum3A_211[15] : i32 from vector<16xi32>
        %add3A_213 = arith.constant 0 : i32
        %add3A_214 = vector.broadcast %add3A_213 : i32 to vector<16xi32>
        %add3A_215 = arith.addi %add3A_214, %iota3A : vector<16xi32>
        %add3A_216 = arith.addi %mul3A_203, %add3A_215 : vector<16xi32>
        %min3A = arith.constant 1008 : i32
        %min3A_217 = arith.minsi %while3A_197, %min3A : i32
        %swap3A_218 = arith.index_cast %min3A_217 : i32 to index
        %swap3A_219 = tpu.vector_load %arg11[%swap3A_218] masked %le3A_208 {strides = array<i32>} : memref<1040xf32, #tpu.memory_space<vmem>>, vector<16xf32>, vector<16xi1>
        tpu.vector_store %arg11[%swap3A_218], %gather3A_207 masked %le3A_208 {strides = array<i32>} : memref<1040xf32, #tpu.memory_space<vmem>>, vector<16xf32>, vector<16xi1>
        %swap3A_220 = arith.index_cast %min3A_217 : i32 to index
        %swap3A_221 = tpu.vector_load %arg12[%swap3A_220] masked %le3A_208 {strides = array<i32>} : memref<1040xi32, #tpu.memory_space<vmem>>, vector<16xi32>, vector<16xi1>
        tpu.vector_store %arg12[%swap3A_220], %add3A_216 masked %le3A_208 {strides = array<i32>} : memref<1040xi32, #tpu.memory_space<vmem>>, vector<16xi32>, vector<16xi1>
        %add3A_222 = arith.addi %while3A_197, %reduce_sum3A_212 : i32
        %min3A_223 = arith.constant 1008 : i32
        %min3A_224 = arith.minsi %add3A_222, %min3A_223 : i32
        %add3A_225 = arith.constant 16 : i32
        %add3A_226 = vector.broadcast %add3A_225 : i32 to vector<16xi32>
        %add3A_227 = arith.addi %add3A_226, %iota3A : vector<16xi32>
        %gather3A_228 = tpu.vector_load_idx %arg10[%broadcast_in_dim3A_198, %add3A_227] : memref<512x128xf32, #tpu.memory_space<vmem>>[vector<16xi32>, vector<16xi32>], vector<16xf32>,
        %le3A_229 = vector.broadcast %reduce_max3A_25 : f32 to vector<16xf32>
        %le3A_230 = arith.cmpf ole, %gather3A_228, %le3A_229 : vector<16xf32>
        %convert_element_type3A_231 = arith.extui %le3A_230 : vector<16xi1> to vector<16xi32>
        %reduce_sum3A_232 = arith.constant true
        %reduce_sum3A_233 = vector.broadcast %reduce_sum3A_232 : i1 to vector<16xi1>
        %reduce_sum3A_234 = tpu.scan <sum>, %convert_element_type3A_231 masked %reduce_sum3A_233 : vector<16xi32>, vector<16xi1> -> vector<16xi32>
        %reduce_sum3A_235 = vector.extract %reduce_sum3A_234[15] : i32 from vector<16xi32>
        %add3A_236 = arith.constant 16 : i32
        %add3A_237 = vector.broadcast %add3A_236 : i32 to vector<16xi32>
        %add3A_238 = arith.addi %add3A_237, %iota3A : vector<16xi32>
        %add3A_239 = arith.addi %mul3A_203, %add3A_238 : vector<16xi32>
        %min3A_240 = arith.constant 1008 : i32
        %min3A_241 = arith.minsi %min3A_224, %min3A_240 : i32
        %swap3A_242 = arith.index_cast %min3A_241 : i32 to index
        %swap3A_243 = tpu.vector_load %arg11[%swap3A_242] masked %le3A_230 {strides = array<i32>} : memref<1040xf32, #tpu.memory_space<vmem>>, vector<16xf32>, vector<16xi1>
        tpu.vector_store %arg11[%swap3A_242], %gather3A_228 masked %le3A_230 {strides = array<i32>} : memref<1040xf32, #tpu.memory_space<vmem>>, vector<16xf32>, vector<16xi1>
        %swap3A_244 = arith.index_cast %min3A_241 : i32 to index
        %swap3A_245 = tpu.vector_load %arg12[%swap3A_244] masked %le3A_230 {strides = array<i32>} : memref<1040xi32, #tpu.memory_space<vmem>>, vector<16xi32>, vector<16xi1>
        tpu.vector_store %arg12[%swap3A_244], %add3A_239 masked %le3A_230 {strides = array<i32>} : memref<1040xi32, #tpu.memory_space<vmem>>, vector<16xi32>, vector<16xi1>
        %add3A_246 = arith.addi %min3A_224, %reduce_sum3A_235 : i32
        %min3A_247 = arith.constant 1008 : i32
        %min3A_248 = arith.minsi %add3A_246, %min3A_247 : i32
        %add3A_249 = arith.constant 32 : i32
        %add3A_250 = vector.broadcast %add3A_249 : i32 to vector<16xi32>
        %add3A_251 = arith.addi %add3A_250, %iota3A : vector<16xi32>
        %gather3A_252 = tpu.vector_load_idx %arg10[%broadcast_in_dim3A_198, %add3A_251] : memref<512x128xf32, #tpu.memory_space<vmem>>[vector<16xi32>, vector<16xi32>], vector<16xf32>,
        %le3A_253 = vector.broadcast %reduce_max3A_25 : f32 to vector<16xf32>
        %le3A_254 = arith.cmpf ole, %gather3A_252, %le3A_253 : vector<16xf32>
        %convert_element_type3A_255 = arith.extui %le3A_254 : vector<16xi1> to vector<16xi32>
        %reduce_sum3A_256 = arith.constant true
        %reduce_sum3A_257 = vector.broadcast %reduce_sum3A_256 : i1 to vector<16xi1>
        %reduce_sum3A_258 = tpu.scan <sum>, %convert_element_type3A_255 masked %reduce_sum3A_257 : vector<16xi32>, vector<16xi1> -> vector<16xi32>
        %reduce_sum3A_259 = vector.extract %reduce_sum3A_258[15] : i32 from vector<16xi32>
        %add3A_260 = arith.constant 32 : i32
        %add3A_261 = vector.broadcast %add3A_260 : i32 to vector<16xi32>
        %add3A_262 = arith.addi %add3A_261, %iota3A : vector<16xi32>
        %add3A_263 = arith.addi %mul3A_203, %add3A_262 : vector<16xi32>
        %min3A_264 = arith.constant 1008 : i32
        %min3A_265 = arith.minsi %min3A_248, %min3A_264 : i32
        %swap3A_266 = arith.index_cast %min3A_265 : i32 to index
        %swap3A_267 = tpu.vector_load %arg11[%swap3A_266] masked %le3A_254 {strides = array<i32>} : memref<1040xf32, #tpu.memory_space<vmem>>, vector<16xf32>, vector<16xi1>
        tpu.vector_store %arg11[%swap3A_266], %gather3A_252 masked %le3A_254 {strides = array<i32>} : memref<1040xf32, #tpu.memory_space<vmem>>, vector<16xf32>, vector<16xi1>
        %swap3A_268 = arith.index_cast %min3A_265 : i32 to index
        %swap3A_269 = tpu.vector_load %arg12[%swap3A_268] masked %le3A_254 {strides = array<i32>} : memref<1040xi32, #tpu.memory_space<vmem>>, vector<16xi32>, vector<16xi1>
        tpu.vector_store %arg12[%swap3A_268], %add3A_263 masked %le3A_254 {strides = array<i32>} : memref<1040xi32, #tpu.memory_space<vmem>>, vector<16xi32>, vector<16xi1>
        %add3A_270 = arith.addi %min3A_248, %reduce_sum3A_259 : i32
        %min3A_271 = arith.constant 1008 : i32
        %min3A_272 = arith.minsi %add3A_270, %min3A_271 : i32
        %add3A_273 = arith.constant 48 : i32
        %add3A_274 = vector.broadcast %add3A_273 : i32 to vector<16xi32>
        %add3A_275 = arith.addi %add3A_274, %iota3A : vector<16xi32>
        %gather3A_276 = tpu.vector_load_idx %arg10[%broadcast_in_dim3A_198, %add3A_275] : memref<512x128xf32, #tpu.memory_space<vmem>>[vector<16xi32>, vector<16xi32>], vector<16xf32>,
        %le3A_277 = vector.broadcast %reduce_max3A_25 : f32 to vector<16xf32>
        %le3A_278 = arith.cmpf ole, %gather3A_276, %le3A_277 : vector<16xf32>
        %convert_element_type3A_279 = arith.extui %le3A_278 : vector<16xi1> to vector<16xi32>
        %reduce_sum3A_280 = arith.constant true
        %reduce_sum3A_281 = vector.broadcast %reduce_sum3A_280 : i1 to vector<16xi1>
        %reduce_sum3A_282 = tpu.scan <sum>, %convert_element_type3A_279 masked %reduce_sum3A_281 : vector<16xi32>, vector<16xi1> -> vector<16xi32>
        %reduce_sum3A_283 = vector.extract %reduce_sum3A_282[15] : i32 from vector<16xi32>
        %add3A_284 = arith.constant 48 : i32
        %add3A_285 = vector.broadcast %add3A_284 : i32 to vector<16xi32>
        %add3A_286 = arith.addi %add3A_285, %iota3A : vector<16xi32>
        %add3A_287 = arith.addi %mul3A_203, %add3A_286 : vector<16xi32>
        %min3A_288 = arith.constant 1008 : i32
        %min3A_289 = arith.minsi %min3A_272, %min3A_288 : i32
        %swap3A_290 = arith.index_cast %min3A_289 : i32 to index
        %swap3A_291 = tpu.vector_load %arg11[%swap3A_290] masked %le3A_278 {strides = array<i32>} : memref<1040xf32, #tpu.memory_space<vmem>>, vector<16xf32>, vector<16xi1>
        tpu.vector_store %arg11[%swap3A_290], %gather3A_276 masked %le3A_278 {strides = array<i32>} : memref<1040xf32, #tpu.memory_space<vmem>>, vector<16xf32>, vector<16xi1>
        %swap3A_292 = arith.index_cast %min3A_289 : i32 to index
        %swap3A_293 = tpu.vector_load %arg12[%swap3A_292] masked %le3A_278 {strides = array<i32>} : memref<1040xi32, #tpu.memory_space<vmem>>, vector<16xi32>, vector<16xi1>
        tpu.vector_store %arg12[%swap3A_292], %add3A_287 masked %le3A_278 {strides = array<i32>} : memref<1040xi32, #tpu.memory_space<vmem>>, vector<16xi32>, vector<16xi1>
        %add3A_294 = arith.addi %min3A_272, %reduce_sum3A_283 : i32
        %min3A_295 = arith.constant 1008 : i32
        %min3A_296 = arith.minsi %add3A_294, %min3A_295 : i32
        %add3A_297 = arith.constant 64 : i32
        %add3A_298 = vector.broadcast %add3A_297 : i32 to vector<16xi32>
        %add3A_299 = arith.addi %add3A_298, %iota3A : vector<16xi32>
        %gather3A_300 = tpu.vector_load_idx %arg10[%broadcast_in_dim3A_198, %add3A_299] : memref<512x128xf32, #tpu.memory_space<vmem>>[vector<16xi32>, vector<16xi32>], vector<16xf32>,
        %le3A_301 = vector.broadcast %reduce_max3A_25 : f32 to vector<16xf32>
        %le3A_302 = arith.cmpf ole, %gather3A_300, %le3A_301 : vector<16xf32>
        %convert_element_type3A_303 = arith.extui %le3A_302 : vector<16xi1> to vector<16xi32>
        %reduce_sum3A_304 = arith.constant true
        %reduce_sum3A_305 = vector.broadcast %reduce_sum3A_304 : i1 to vector<16xi1>
        %reduce_sum3A_306 = tpu.scan <sum>, %convert_element_type3A_303 masked %reduce_sum3A_305 : vector<16xi32>, vector<16xi1> -> vector<16xi32>
        %reduce_sum3A_307 = vector.extract %reduce_sum3A_306[15] : i32 from vector<16xi32>
        %add3A_308 = arith.constant 64 : i32
        %add3A_309 = vector.broadcast %add3A_308 : i32 to vector<16xi32>
        %add3A_310 = arith.addi %add3A_309, %iota3A : vector<16xi32>
        %add3A_311 = arith.addi %mul3A_203, %add3A_310 : vector<16xi32>
        %min3A_312 = arith.constant 1008 : i32
        %min3A_313 = arith.minsi %min3A_296, %min3A_312 : i32
        %swap3A_314 = arith.index_cast %min3A_313 : i32 to index
        %swap3A_315 = tpu.vector_load %arg11[%swap3A_314] masked %le3A_302 {strides = array<i32>} : memref<1040xf32, #tpu.memory_space<vmem>>, vector<16xf32>, vector<16xi1>
        tpu.vector_store %arg11[%swap3A_314], %gather3A_300 masked %le3A_302 {strides = array<i32>} : memref<1040xf32, #tpu.memory_space<vmem>>, vector<16xf32>, vector<16xi1>
        %swap3A_316 = arith.index_cast %min3A_313 : i32 to index
        %swap3A_317 = tpu.vector_load %arg12[%swap3A_316] masked %le3A_302 {strides = array<i32>} : memref<1040xi32, #tpu.memory_space<vmem>>, vector<16xi32>, vector<16xi1>
        tpu.vector_store %arg12[%swap3A_316], %add3A_311 masked %le3A_302 {strides = array<i32>} : memref<1040xi32, #tpu.memory_space<vmem>>, vector<16xi32>, vector<16xi1>
        %add3A_318 = arith.addi %min3A_296, %reduce_sum3A_307 : i32
        %min3A_319 = arith.constant 1008 : i32
        %min3A_320 = arith.minsi %add3A_318, %min3A_319 : i32
        %add3A_321 = arith.constant 80 : i32
        %add3A_322 = vector.broadcast %add3A_321 : i32 to vector<16xi32>
        %add3A_323 = arith.addi %add3A_322, %iota3A : vector<16xi32>
        %gather3A_324 = tpu.vector_load_idx %arg10[%broadcast_in_dim3A_198, %add3A_323] : memref<512x128xf32, #tpu.memory_space<vmem>>[vector<16xi32>, vector<16xi32>], vector<16xf32>,
        %le3A_325 = vector.broadcast %reduce_max3A_25 : f32 to vector<16xf32>
        %le3A_326 = arith.cmpf ole, %gather3A_324, %le3A_325 : vector<16xf32>
        %convert_element_type3A_327 = arith.extui %le3A_326 : vector<16xi1> to vector<16xi32>
        %reduce_sum3A_328 = arith.constant true
        %reduce_sum3A_329 = vector.broadcast %reduce_sum3A_328 : i1 to vector<16xi1>
        %reduce_sum3A_330 = tpu.scan <sum>, %convert_element_type3A_327 masked %reduce_sum3A_329 : vector<16xi32>, vector<16xi1> -> vector<16xi32>
        %reduce_sum3A_331 = vector.extract %reduce_sum3A_330[15] : i32 from vector<16xi32>
        %add3A_332 = arith.constant 80 : i32
        %add3A_333 = vector.broadcast %add3A_332 : i32 to vector<16xi32>
        %add3A_334 = arith.addi %add3A_333, %iota3A : vector<16xi32>
        %add3A_335 = arith.addi %mul3A_203, %add3A_334 : vector<16xi32>
        %min3A_336 = arith.constant 1008 : i32
        %min3A_337 = arith.minsi %min3A_320, %min3A_336 : i32
        %swap3A_338 = arith.index_cast %min3A_337 : i32 to index
        %swap3A_339 = tpu.vector_load %arg11[%swap3A_338] masked %le3A_326 {strides = array<i32>} : memref<1040xf32, #tpu.memory_space<vmem>>, vector<16xf32>, vector<16xi1>
        tpu.vector_store %arg11[%swap3A_338], %gather3A_324 masked %le3A_326 {strides = array<i32>} : memref<1040xf32, #tpu.memory_space<vmem>>, vector<16xf32>, vector<16xi1>
        %swap3A_340 = arith.index_cast %min3A_337 : i32 to index
        %swap3A_341 = tpu.vector_load %arg12[%swap3A_340] masked %le3A_326 {strides = array<i32>} : memref<1040xi32, #tpu.memory_space<vmem>>, vector<16xi32>, vector<16xi1>
        tpu.vector_store %arg12[%swap3A_340], %add3A_335 masked %le3A_326 {strides = array<i32>} : memref<1040xi32, #tpu.memory_space<vmem>>, vector<16xi32>, vector<16xi1>
        %add3A_342 = arith.addi %min3A_320, %reduce_sum3A_331 : i32
        %min3A_343 = arith.constant 1008 : i32
        %min3A_344 = arith.minsi %add3A_342, %min3A_343 : i32
        %add3A_345 = arith.constant 96 : i32
        %add3A_346 = vector.broadcast %add3A_345 : i32 to vector<16xi32>
        %add3A_347 = arith.addi %add3A_346, %iota3A : vector<16xi32>
        %gather3A_348 = tpu.vector_load_idx %arg10[%broadcast_in_dim3A_198, %add3A_347] : memref<512x128xf32, #tpu.memory_space<vmem>>[vector<16xi32>, vector<16xi32>], vector<16xf32>,
        %le3A_349 = vector.broadcast %reduce_max3A_25 : f32 to vector<16xf32>
        %le3A_350 = arith.cmpf ole, %gather3A_348, %le3A_349 : vector<16xf32>
        %convert_element_type3A_351 = arith.extui %le3A_350 : vector<16xi1> to vector<16xi32>
        %reduce_sum3A_352 = arith.constant true
        %reduce_sum3A_353 = vector.broadcast %reduce_sum3A_352 : i1 to vector<16xi1>
        %reduce_sum3A_354 = tpu.scan <sum>, %convert_element_type3A_351 masked %reduce_sum3A_353 : vector<16xi32>, vector<16xi1> -> vector<16xi32>
        %reduce_sum3A_355 = vector.extract %reduce_sum3A_354[15] : i32 from vector<16xi32>
        %add3A_356 = arith.constant 96 : i32
        %add3A_357 = vector.broadcast %add3A_356 : i32 to vector<16xi32>
        %add3A_358 = arith.addi %add3A_357, %iota3A : vector<16xi32>
        %add3A_359 = arith.addi %mul3A_203, %add3A_358 : vector<16xi32>
        %min3A_360 = arith.constant 1008 : i32
        %min3A_361 = arith.minsi %min3A_344, %min3A_360 : i32
        %swap3A_362 = arith.index_cast %min3A_361 : i32 to index
        %swap3A_363 = tpu.vector_load %arg11[%swap3A_362] masked %le3A_350 {strides = array<i32>} : memref<1040xf32, #tpu.memory_space<vmem>>, vector<16xf32>, vector<16xi1>
        tpu.vector_store %arg11[%swap3A_362], %gather3A_348 masked %le3A_350 {strides = array<i32>} : memref<1040xf32, #tpu.memory_space<vmem>>, vector<16xf32>, vector<16xi1>
        %swap3A_364 = arith.index_cast %min3A_361 : i32 to index
        %swap3A_365 = tpu.vector_load %arg12[%swap3A_364] masked %le3A_350 {strides = array<i32>} : memref<1040xi32, #tpu.memory_space<vmem>>, vector<16xi32>, vector<16xi1>
        tpu.vector_store %arg12[%swap3A_364], %add3A_359 masked %le3A_350 {strides = array<i32>} : memref<1040xi32, #tpu.memory_space<vmem>>, vector<16xi32>, vector<16xi1>
        %add3A_366 = arith.addi %min3A_344, %reduce_sum3A_355 : i32
        %min3A_367 = arith.constant 1008 : i32
        %min3A_368 = arith.minsi %add3A_366, %min3A_367 : i32
        %add3A_369 = arith.constant 112 : i32
        %add3A_370 = vector.broadcast %add3A_369 : i32 to vector<16xi32>
        %add3A_371 = arith.addi %add3A_370, %iota3A : vector<16xi32>
        %gather3A_372 = tpu.vector_load_idx %arg10[%broadcast_in_dim3A_198, %add3A_371] : memref<512x128xf32, #tpu.memory_space<vmem>>[vector<16xi32>, vector<16xi32>], vector<16xf32>,
        %le3A_373 = vector.broadcast %reduce_max3A_25 : f32 to vector<16xf32>
        %le3A_374 = arith.cmpf ole, %gather3A_372, %le3A_373 : vector<16xf32>
        %convert_element_type3A_375 = arith.extui %le3A_374 : vector<16xi1> to vector<16xi32>
        %reduce_sum3A_376 = arith.constant true
        %reduce_sum3A_377 = vector.broadcast %reduce_sum3A_376 : i1 to vector<16xi1>
        %reduce_sum3A_378 = tpu.scan <sum>, %convert_element_type3A_375 masked %reduce_sum3A_377 : vector<16xi32>, vector<16xi1> -> vector<16xi32>
        %reduce_sum3A_379 = vector.extract %reduce_sum3A_378[15] : i32 from vector<16xi32>
        %add3A_380 = arith.constant 112 : i32
        %add3A_381 = vector.broadcast %add3A_380 : i32 to vector<16xi32>
        %add3A_382 = arith.addi %add3A_381, %iota3A : vector<16xi32>
        %add3A_383 = arith.addi %mul3A_203, %add3A_382 : vector<16xi32>
        %min3A_384 = arith.constant 1008 : i32
        %min3A_385 = arith.minsi %min3A_368, %min3A_384 : i32
        %swap3A_386 = arith.index_cast %min3A_385 : i32 to index
        %swap3A_387 = tpu.vector_load %arg11[%swap3A_386] masked %le3A_374 {strides = array<i32>} : memref<1040xf32, #tpu.memory_space<vmem>>, vector<16xf32>, vector<16xi1>
        tpu.vector_store %arg11[%swap3A_386], %gather3A_372 masked %le3A_374 {strides = array<i32>} : memref<1040xf32, #tpu.memory_space<vmem>>, vector<16xf32>, vector<16xi1>
        %swap3A_388 = arith.index_cast %min3A_385 : i32 to index
        %swap3A_389 = tpu.vector_load %arg12[%swap3A_388] masked %le3A_374 {strides = array<i32>} : memref<1040xi32, #tpu.memory_space<vmem>>, vector<16xi32>, vector<16xi1>
        tpu.vector_store %arg12[%swap3A_388], %add3A_383 masked %le3A_374 {strides = array<i32>} : memref<1040xi32, #tpu.memory_space<vmem>>, vector<16xi32>, vector<16xi1>
        %add3A_390 = arith.addi %min3A_368, %reduce_sum3A_379 : i32
        %min3A_391 = arith.constant 1008 : i32
        %min3A_392 = arith.minsi %add3A_390, %min3A_391 : i32
        scf.yield %min3A_392 : i32
      }
      %while3A_78 = arith.constant 1 : i32
      %while3A_79 = scf.for %while3A_196 = %while3A_75 to %while3A_71 step %while3A_78 iter_args(%while3A_197 = %while3A_77) -> (i32)  : i32 {
        %broadcast_in_dim3A_198 = vector.broadcast %while3A_196 : i32 to vector<16xi32>
        %gather3A = tpu.vector_load_idx %arg9[%broadcast_in_dim3A_198] : memref<544xi32, #tpu.memory_space<vmem>>[vector<16xi32>], vector<16xi32>,
        %sub3A_199 = vector.broadcast %mul3A_13 : i32 to vector<16xi32>
        %sub3A_200 = arith.subi %gather3A, %sub3A_199 : vector<16xi32>
        %mul3A_201 = arith.constant 128 : i32
        %mul3A_202 = vector.broadcast %mul3A_201 : i32 to vector<16xi32>
        %mul3A_203 = arith.muli %sub3A_200, %mul3A_202 : vector<16xi32>
        %add3A_204 = arith.constant 0 : i32
        %add3A_205 = vector.broadcast %add3A_204 : i32 to vector<16xi32>
        %add3A_206 = arith.addi %add3A_205, %iota3A : vector<16xi32>
        %gather3A_207 = tpu.vector_load_idx %arg10[%broadcast_in_dim3A_198, %add3A_206] : memref<512x128xf32, #tpu.memory_space<vmem>>[vector<16xi32>, vector<16xi32>], vector<16xf32>,
        %le3A = vector.broadcast %reduce_max3A_25 : f32 to vector<16xf32>
        %le3A_208 = arith.cmpf ole, %gather3A_207, %le3A : vector<16xf32>
        %convert_element_type3A = arith.extui %le3A_208 : vector<16xi1> to vector<16xi32>
        %reduce_sum3A_209 = arith.constant true
        %reduce_sum3A_210 = vector.broadcast %reduce_sum3A_209 : i1 to vector<16xi1>
        %reduce_sum3A_211 = tpu.scan <sum>, %convert_element_type3A masked %reduce_sum3A_210 : vector<16xi32>, vector<16xi1> -> vector<16xi32>
        %reduce_sum3A_212 = vector.extract %reduce_sum3A_211[15] : i32 from vector<16xi32>
        %add3A_213 = arith.constant 0 : i32
        %add3A_214 = vector.broadcast %add3A_213 : i32 to vector<16xi32>
        %add3A_215 = arith.addi %add3A_214, %iota3A : vector<16xi32>
        %add3A_216 = arith.addi %mul3A_203, %add3A_215 : vector<16xi32>
        %min3A = arith.constant 1008 : i32
        %min3A_217 = arith.minsi %while3A_197, %min3A : i32
        %swap3A_218 = arith.index_cast %min3A_217 : i32 to index
        %swap3A_219 = tpu.vector_load %arg11[%swap3A_218] masked %le3A_208 {strides = array<i32>} : memref<1040xf32, #tpu.memory_space<vmem>>, vector<16xf32>, vector<16xi1>
        tpu.vector_store %arg11[%swap3A_218], %gather3A_207 masked %le3A_208 {strides = array<i32>} : memref<1040xf32, #tpu.memory_space<vmem>>, vector<16xf32>, vector<16xi1>
        %swap3A_220 = arith.index_cast %min3A_217 : i32 to index
        %swap3A_221 = tpu.vector_load %arg12[%swap3A_220] masked %le3A_208 {strides = array<i32>} : memref<1040xi32, #tpu.memory_space<vmem>>, vector<16xi32>, vector<16xi1>
        tpu.vector_store %arg12[%swap3A_220], %add3A_216 masked %le3A_208 {strides = array<i32>} : memref<1040xi32, #tpu.memory_space<vmem>>, vector<16xi32>, vector<16xi1>
        %add3A_222 = arith.addi %while3A_197, %reduce_sum3A_212 : i32
        %min3A_223 = arith.constant 1008 : i32
        %min3A_224 = arith.minsi %add3A_222, %min3A_223 : i32
        %add3A_225 = arith.constant 16 : i32
        %add3A_226 = vector.broadcast %add3A_225 : i32 to vector<16xi32>
        %add3A_227 = arith.addi %add3A_226, %iota3A : vector<16xi32>
        %gather3A_228 = tpu.vector_load_idx %arg10[%broadcast_in_dim3A_198, %add3A_227] : memref<512x128xf32, #tpu.memory_space<vmem>>[vector<16xi32>, vector<16xi32>], vector<16xf32>,
        %le3A_229 = vector.broadcast %reduce_max3A_25 : f32 to vector<16xf32>
        %le3A_230 = arith.cmpf ole, %gather3A_228, %le3A_229 : vector<16xf32>
        %convert_element_type3A_231 = arith.extui %le3A_230 : vector<16xi1> to vector<16xi32>
        %reduce_sum3A_232 = arith.constant true
        %reduce_sum3A_233 = vector.broadcast %reduce_sum3A_232 : i1 to vector<16xi1>
        %reduce_sum3A_234 = tpu.scan <sum>, %convert_element_type3A_231 masked %reduce_sum3A_233 : vector<16xi32>, vector<16xi1> -> vector<16xi32>
        %reduce_sum3A_235 = vector.extract %reduce_sum3A_234[15] : i32 from vector<16xi32>
        %add3A_236 = arith.constant 16 : i32
        %add3A_237 = vector.broadcast %add3A_236 : i32 to vector<16xi32>
        %add3A_238 = arith.addi %add3A_237, %iota3A : vector<16xi32>
        %add3A_239 = arith.addi %mul3A_203, %add3A_238 : vector<16xi32>
        %min3A_240 = arith.constant 1008 : i32
        %min3A_241 = arith.minsi %min3A_224, %min3A_240 : i32
        %swap3A_242 = arith.index_cast %min3A_241 : i32 to index
        %swap3A_243 = tpu.vector_load %arg11[%swap3A_242] masked %le3A_230 {strides = array<i32>} : memref<1040xf32, #tpu.memory_space<vmem>>, vector<16xf32>, vector<16xi1>
        tpu.vector_store %arg11[%swap3A_242], %gather3A_228 masked %le3A_230 {strides = array<i32>} : memref<1040xf32, #tpu.memory_space<vmem>>, vector<16xf32>, vector<16xi1>
        %swap3A_244 = arith.index_cast %min3A_241 : i32 to index
        %swap3A_245 = tpu.vector_load %arg12[%swap3A_244] masked %le3A_230 {strides = array<i32>} : memref<1040xi32, #tpu.memory_space<vmem>>, vector<16xi32>, vector<16xi1>
        tpu.vector_store %arg12[%swap3A_244], %add3A_239 masked %le3A_230 {strides = array<i32>} : memref<1040xi32, #tpu.memory_space<vmem>>, vector<16xi32>, vector<16xi1>
        %add3A_246 = arith.addi %min3A_224, %reduce_sum3A_235 : i32
        %min3A_247 = arith.constant 1008 : i32
        %min3A_248 = arith.minsi %add3A_246, %min3A_247 : i32
        %add3A_249 = arith.constant 32 : i32
        %add3A_250 = vector.broadcast %add3A_249 : i32 to vector<16xi32>
        %add3A_251 = arith.addi %add3A_250, %iota3A : vector<16xi32>
        %gather3A_252 = tpu.vector_load_idx %arg10[%broadcast_in_dim3A_198, %add3A_251] : memref<512x128xf32, #tpu.memory_space<vmem>>[vector<16xi32>, vector<16xi32>], vector<16xf32>,
        %le3A_253 = vector.broadcast %reduce_max3A_25 : f32 to vector<16xf32>
        %le3A_254 = arith.cmpf ole, %gather3A_252, %le3A_253 : vector<16xf32>
        %convert_element_type3A_255 = arith.extui %le3A_254 : vector<16xi1> to vector<16xi32>
        %reduce_sum3A_256 = arith.constant true
        %reduce_sum3A_257 = vector.broadcast %reduce_sum3A_256 : i1 to vector<16xi1>
        %reduce_sum3A_258 = tpu.scan <sum>, %convert_element_type3A_255 masked %reduce_sum3A_257 : vector<16xi32>, vector<16xi1> -> vector<16xi32>
        %reduce_sum3A_259 = vector.extract %reduce_sum3A_258[15] : i32 from vector<16xi32>
        %add3A_260 = arith.constant 32 : i32
        %add3A_261 = vector.broadcast %add3A_260 : i32 to vector<16xi32>
        %add3A_262 = arith.addi %add3A_261, %iota3A : vector<16xi32>
        %add3A_263 = arith.addi %mul3A_203, %add3A_262 : vector<16xi32>
        %min3A_264 = arith.constant 1008 : i32
        %min3A_265 = arith.minsi %min3A_248, %min3A_264 : i32
        %swap3A_266 = arith.index_cast %min3A_265 : i32 to index
        %swap3A_267 = tpu.vector_load %arg11[%swap3A_266] masked %le3A_254 {strides = array<i32>} : memref<1040xf32, #tpu.memory_space<vmem>>, vector<16xf32>, vector<16xi1>
        tpu.vector_store %arg11[%swap3A_266], %gather3A_252 masked %le3A_254 {strides = array<i32>} : memref<1040xf32, #tpu.memory_space<vmem>>, vector<16xf32>, vector<16xi1>
        %swap3A_268 = arith.index_cast %min3A_265 : i32 to index
        %swap3A_269 = tpu.vector_load %arg12[%swap3A_268] masked %le3A_254 {strides = array<i32>} : memref<1040xi32, #tpu.memory_space<vmem>>, vector<16xi32>, vector<16xi1>
        tpu.vector_store %arg12[%swap3A_268], %add3A_263 masked %le3A_254 {strides = array<i32>} : memref<1040xi32, #tpu.memory_space<vmem>>, vector<16xi32>, vector<16xi1>
        %add3A_270 = arith.addi %min3A_248, %reduce_sum3A_259 : i32
        %min3A_271 = arith.constant 1008 : i32
        %min3A_272 = arith.minsi %add3A_270, %min3A_271 : i32
        %add3A_273 = arith.constant 48 : i32
        %add3A_274 = vector.broadcast %add3A_273 : i32 to vector<16xi32>
        %add3A_275 = arith.addi %add3A_274, %iota3A : vector<16xi32>
        %gather3A_276 = tpu.vector_load_idx %arg10[%broadcast_in_dim3A_198, %add3A_275] : memref<512x128xf32, #tpu.memory_space<vmem>>[vector<16xi32>, vector<16xi32>], vector<16xf32>,
        %le3A_277 = vector.broadcast %reduce_max3A_25 : f32 to vector<16xf32>
        %le3A_278 = arith.cmpf ole, %gather3A_276, %le3A_277 : vector<16xf32>
        %convert_element_type3A_279 = arith.extui %le3A_278 : vector<16xi1> to vector<16xi32>
        %reduce_sum3A_280 = arith.constant true
        %reduce_sum3A_281 = vector.broadcast %reduce_sum3A_280 : i1 to vector<16xi1>
        %reduce_sum3A_282 = tpu.scan <sum>, %convert_element_type3A_279 masked %reduce_sum3A_281 : vector<16xi32>, vector<16xi1> -> vector<16xi32>
        %reduce_sum3A_283 = vector.extract %reduce_sum3A_282[15] : i32 from vector<16xi32>
        %add3A_284 = arith.constant 48 : i32
        %add3A_285 = vector.broadcast %add3A_284 : i32 to vector<16xi32>
        %add3A_286 = arith.addi %add3A_285, %iota3A : vector<16xi32>
        %add3A_287 = arith.addi %mul3A_203, %add3A_286 : vector<16xi32>
        %min3A_288 = arith.constant 1008 : i32
        %min3A_289 = arith.minsi %min3A_272, %min3A_288 : i32
        %swap3A_290 = arith.index_cast %min3A_289 : i32 to index
        %swap3A_291 = tpu.vector_load %arg11[%swap3A_290] masked %le3A_278 {strides = array<i32>} : memref<1040xf32, #tpu.memory_space<vmem>>, vector<16xf32>, vector<16xi1>
        tpu.vector_store %arg11[%swap3A_290], %gather3A_276 masked %le3A_278 {strides = array<i32>} : memref<1040xf32, #tpu.memory_space<vmem>>, vector<16xf32>, vector<16xi1>
        %swap3A_292 = arith.index_cast %min3A_289 : i32 to index
        %swap3A_293 = tpu.vector_load %arg12[%swap3A_292] masked %le3A_278 {strides = array<i32>} : memref<1040xi32, #tpu.memory_space<vmem>>, vector<16xi32>, vector<16xi1>
        tpu.vector_store %arg12[%swap3A_292], %add3A_287 masked %le3A_278 {strides = array<i32>} : memref<1040xi32, #tpu.memory_space<vmem>>, vector<16xi32>, vector<16xi1>
        %add3A_294 = arith.addi %min3A_272, %reduce_sum3A_283 : i32
        %min3A_295 = arith.constant 1008 : i32
        %min3A_296 = arith.minsi %add3A_294, %min3A_295 : i32
        %add3A_297 = arith.constant 64 : i32
        %add3A_298 = vector.broadcast %add3A_297 : i32 to vector<16xi32>
        %add3A_299 = arith.addi %add3A_298, %iota3A : vector<16xi32>
        %gather3A_300 = tpu.vector_load_idx %arg10[%broadcast_in_dim3A_198, %add3A_299] : memref<512x128xf32, #tpu.memory_space<vmem>>[vector<16xi32>, vector<16xi32>], vector<16xf32>,
        %le3A_301 = vector.broadcast %reduce_max3A_25 : f32 to vector<16xf32>
        %le3A_302 = arith.cmpf ole, %gather3A_300, %le3A_301 : vector<16xf32>
        %convert_element_type3A_303 = arith.extui %le3A_302 : vector<16xi1> to vector<16xi32>
        %reduce_sum3A_304 = arith.constant true
        %reduce_sum3A_305 = vector.broadcast %reduce_sum3A_304 : i1 to vector<16xi1>
        %reduce_sum3A_306 = tpu.scan <sum>, %convert_element_type3A_303 masked %reduce_sum3A_305 : vector<16xi32>, vector<16xi1> -> vector<16xi32>
        %reduce_sum3A_307 = vector.extract %reduce_sum3A_306[15] : i32 from vector<16xi32>
        %add3A_308 = arith.constant 64 : i32
        %add3A_309 = vector.broadcast %add3A_308 : i32 to vector<16xi32>
        %add3A_310 = arith.addi %add3A_309, %iota3A : vector<16xi32>
        %add3A_311 = arith.addi %mul3A_203, %add3A_310 : vector<16xi32>
        %min3A_312 = arith.constant 1008 : i32
        %min3A_313 = arith.minsi %min3A_296, %min3A_312 : i32
        %swap3A_314 = arith.index_cast %min3A_313 : i32 to index
        %swap3A_315 = tpu.vector_load %arg11[%swap3A_314] masked %le3A_302 {strides = array<i32>} : memref<1040xf32, #tpu.memory_space<vmem>>, vector<16xf32>, vector<16xi1>
        tpu.vector_store %arg11[%swap3A_314], %gather3A_300 masked %le3A_302 {strides = array<i32>} : memref<1040xf32, #tpu.memory_space<vmem>>, vector<16xf32>, vector<16xi1>
        %swap3A_316 = arith.index_cast %min3A_313 : i32 to index
        %swap3A_317 = tpu.vector_load %arg12[%swap3A_316] masked %le3A_302 {strides = array<i32>} : memref<1040xi32, #tpu.memory_space<vmem>>, vector<16xi32>, vector<16xi1>
        tpu.vector_store %arg12[%swap3A_316], %add3A_311 masked %le3A_302 {strides = array<i32>} : memref<1040xi32, #tpu.memory_space<vmem>>, vector<16xi32>, vector<16xi1>
        %add3A_318 = arith.addi %min3A_296, %reduce_sum3A_307 : i32
        %min3A_319 = arith.constant 1008 : i32
        %min3A_320 = arith.minsi %add3A_318, %min3A_319 : i32
        %add3A_321 = arith.constant 80 : i32
        %add3A_322 = vector.broadcast %add3A_321 : i32 to vector<16xi32>
        %add3A_323 = arith.addi %add3A_322, %iota3A : vector<16xi32>
        %gather3A_324 = tpu.vector_load_idx %arg10[%broadcast_in_dim3A_198, %add3A_323] : memref<512x128xf32, #tpu.memory_space<vmem>>[vector<16xi32>, vector<16xi32>], vector<16xf32>,
        %le3A_325 = vector.broadcast %reduce_max3A_25 : f32 to vector<16xf32>
        %le3A_326 = arith.cmpf ole, %gather3A_324, %le3A_325 : vector<16xf32>
        %convert_element_type3A_327 = arith.extui %le3A_326 : vector<16xi1> to vector<16xi32>
        %reduce_sum3A_328 = arith.constant true
        %reduce_sum3A_329 = vector.broadcast %reduce_sum3A_328 : i1 to vector<16xi1>
        %reduce_sum3A_330 = tpu.scan <sum>, %convert_element_type3A_327 masked %reduce_sum3A_329 : vector<16xi32>, vector<16xi1> -> vector<16xi32>
        %reduce_sum3A_331 = vector.extract %reduce_sum3A_330[15] : i32 from vector<16xi32>
        %add3A_332 = arith.constant 80 : i32
        %add3A_333 = vector.broadcast %add3A_332 : i32 to vector<16xi32>
        %add3A_334 = arith.addi %add3A_333, %iota3A : vector<16xi32>
        %add3A_335 = arith.addi %mul3A_203, %add3A_334 : vector<16xi32>
        %min3A_336 = arith.constant 1008 : i32
        %min3A_337 = arith.minsi %min3A_320, %min3A_336 : i32
        %swap3A_338 = arith.index_cast %min3A_337 : i32 to index
        %swap3A_339 = tpu.vector_load %arg11[%swap3A_338] masked %le3A_326 {strides = array<i32>} : memref<1040xf32, #tpu.memory_space<vmem>>, vector<16xf32>, vector<16xi1>
        tpu.vector_store %arg11[%swap3A_338], %gather3A_324 masked %le3A_326 {strides = array<i32>} : memref<1040xf32, #tpu.memory_space<vmem>>, vector<16xf32>, vector<16xi1>
        %swap3A_340 = arith.index_cast %min3A_337 : i32 to index
        %swap3A_341 = tpu.vector_load %arg12[%swap3A_340] masked %le3A_326 {strides = array<i32>} : memref<1040xi32, #tpu.memory_space<vmem>>, vector<16xi32>, vector<16xi1>
        tpu.vector_store %arg12[%swap3A_340], %add3A_335 masked %le3A_326 {strides = array<i32>} : memref<1040xi32, #tpu.memory_space<vmem>>, vector<16xi32>, vector<16xi1>
        %add3A_342 = arith.addi %min3A_320, %reduce_sum3A_331 : i32
        %min3A_343 = arith.constant 1008 : i32
        %min3A_344 = arith.minsi %add3A_342, %min3A_343 : i32
        %add3A_345 = arith.constant 96 : i32
        %add3A_346 = vector.broadcast %add3A_345 : i32 to vector<16xi32>
        %add3A_347 = arith.addi %add3A_346, %iota3A : vector<16xi32>
        %gather3A_348 = tpu.vector_load_idx %arg10[%broadcast_in_dim3A_198, %add3A_347] : memref<512x128xf32, #tpu.memory_space<vmem>>[vector<16xi32>, vector<16xi32>], vector<16xf32>,
        %le3A_349 = vector.broadcast %reduce_max3A_25 : f32 to vector<16xf32>
        %le3A_350 = arith.cmpf ole, %gather3A_348, %le3A_349 : vector<16xf32>
        %convert_element_type3A_351 = arith.extui %le3A_350 : vector<16xi1> to vector<16xi32>
        %reduce_sum3A_352 = arith.constant true
        %reduce_sum3A_353 = vector.broadcast %reduce_sum3A_352 : i1 to vector<16xi1>
        %reduce_sum3A_354 = tpu.scan <sum>, %convert_element_type3A_351 masked %reduce_sum3A_353 : vector<16xi32>, vector<16xi1> -> vector<16xi32>
        %reduce_sum3A_355 = vector.extract %reduce_sum3A_354[15] : i32 from vector<16xi32>
        %add3A_356 = arith.constant 96 : i32
        %add3A_357 = vector.broadcast %add3A_356 : i32 to vector<16xi32>
        %add3A_358 = arith.addi %add3A_357, %iota3A : vector<16xi32>
        %add3A_359 = arith.addi %mul3A_203, %add3A_358 : vector<16xi32>
        %min3A_360 = arith.constant 1008 : i32
        %min3A_361 = arith.minsi %min3A_344, %min3A_360 : i32
        %swap3A_362 = arith.index_cast %min3A_361 : i32 to index
        %swap3A_363 = tpu.vector_load %arg11[%swap3A_362] masked %le3A_350 {strides = array<i32>} : memref<1040xf32, #tpu.memory_space<vmem>>, vector<16xf32>, vector<16xi1>
        tpu.vector_store %arg11[%swap3A_362], %gather3A_348 masked %le3A_350 {strides = array<i32>} : memref<1040xf32, #tpu.memory_space<vmem>>, vector<16xf32>, vector<16xi1>
        %swap3A_364 = arith.index_cast %min3A_361 : i32 to index
        %swap3A_365 = tpu.vector_load %arg12[%swap3A_364] masked %le3A_350 {strides = array<i32>} : memref<1040xi32, #tpu.memory_space<vmem>>, vector<16xi32>, vector<16xi1>
        tpu.vector_store %arg12[%swap3A_364], %add3A_359 masked %le3A_350 {strides = array<i32>} : memref<1040xi32, #tpu.memory_space<vmem>>, vector<16xi32>, vector<16xi1>
        %add3A_366 = arith.addi %min3A_344, %reduce_sum3A_355 : i32
        %min3A_367 = arith.constant 1008 : i32
        %min3A_368 = arith.minsi %add3A_366, %min3A_367 : i32
        %add3A_369 = arith.constant 112 : i32
        %add3A_370 = vector.broadcast %add3A_369 : i32 to vector<16xi32>
        %add3A_371 = arith.addi %add3A_370, %iota3A : vector<16xi32>
        %gather3A_372 = tpu.vector_load_idx %arg10[%broadcast_in_dim3A_198, %add3A_371] : memref<512x128xf32, #tpu.memory_space<vmem>>[vector<16xi32>, vector<16xi32>], vector<16xf32>,
        %le3A_373 = vector.broadcast %reduce_max3A_25 : f32 to vector<16xf32>
        %le3A_374 = arith.cmpf ole, %gather3A_372, %le3A_373 : vector<16xf32>
        %convert_element_type3A_375 = arith.extui %le3A_374 : vector<16xi1> to vector<16xi32>
        %reduce_sum3A_376 = arith.constant true
        %reduce_sum3A_377 = vector.broadcast %reduce_sum3A_376 : i1 to vector<16xi1>
        %reduce_sum3A_378 = tpu.scan <sum>, %convert_element_type3A_375 masked %reduce_sum3A_377 : vector<16xi32>, vector<16xi1> -> vector<16xi32>
        %reduce_sum3A_379 = vector.extract %reduce_sum3A_378[15] : i32 from vector<16xi32>
        %add3A_380 = arith.constant 112 : i32
        %add3A_381 = vector.broadcast %add3A_380 : i32 to vector<16xi32>
        %add3A_382 = arith.addi %add3A_381, %iota3A : vector<16xi32>
        %add3A_383 = arith.addi %mul3A_203, %add3A_382 : vector<16xi32>
        %min3A_384 = arith.constant 1008 : i32
        %min3A_385 = arith.minsi %min3A_368, %min3A_384 : i32
        %swap3A_386 = arith.index_cast %min3A_385 : i32 to index
        %swap3A_387 = tpu.vector_load %arg11[%swap3A_386] masked %le3A_374 {strides = array<i32>} : memref<1040xf32, #tpu.memory_space<vmem>>, vector<16xf32>, vector<16xi1>
        tpu.vector_store %arg11[%swap3A_386], %gather3A_372 masked %le3A_374 {strides = array<i32>} : memref<1040xf32, #tpu.memory_space<vmem>>, vector<16xf32>, vector<16xi1>
        %swap3A_388 = arith.index_cast %min3A_385 : i32 to index
        %swap3A_389 = tpu.vector_load %arg12[%swap3A_388] masked %le3A_374 {strides = array<i32>} : memref<1040xi32, #tpu.memory_space<vmem>>, vector<16xi32>, vector<16xi1>
        tpu.vector_store %arg12[%swap3A_388], %add3A_383 masked %le3A_374 {strides = array<i32>} : memref<1040xi32, #tpu.memory_space<vmem>>, vector<16xi32>, vector<16xi1>
        %add3A_390 = arith.addi %min3A_368, %reduce_sum3A_379 : i32
        %min3A_391 = arith.constant 1008 : i32
        %min3A_392 = arith.minsi %add3A_390, %min3A_391 : i32
        scf.yield %min3A_392 : i32
      }
      %broadcast_in_dim3A_80 = arith.constant 1.000000e+30 : f32
      %broadcast_in_dim3A_81 = vector.broadcast %broadcast_in_dim3A_80 : f32 to vector<16xf32>
      %swap3A_82 = arith.index_cast %while3A_79 : i32 to index
      %swap3A_83 = tpu.vector_load %arg11[%swap3A_82] {strides = array<i32>} : memref<1040xf32, #tpu.memory_space<vmem>>, vector<16xf32>,
      tpu.vector_store %arg11[%swap3A_82], %broadcast_in_dim3A_81 {strides = array<i32>} : memref<1040xf32, #tpu.memory_space<vmem>>, vector<16xf32>,
      %add3A_84 = arith.constant 15 : i32
      %add3A_85 = arith.addi %while3A_79, %add3A_84 : i32
      %shift_right_arithmetic3A_86 = arith.constant 4 : i32
      %shift_right_arithmetic3A_87 = arith.shrsi %add3A_85, %shift_right_arithmetic3A_86 : i32
      %scan3A_88 = arith.constant 0 : i32
      %scan3A_89 = arith.constant 0 : i32
      %scan3A_90 = arith.constant 32 : i32
      %scan3A_91 = arith.addi %scan3A_89, %scan3A_90 : i32
      %scan3A_92 = arith.constant 1 : i32
      %scan3A_93 = scf.for %scan3A_196 = %scan3A_89 to %scan3A_91 step %scan3A_92 iter_args(%scan3A_197 = %scan3A_88) -> (i32)  : i32 {
        %broadcast_in_dim3A_198 = arith.constant 1.000000e+30 : f32
        %broadcast_in_dim3A_199 = vector.broadcast %broadcast_in_dim3A_198 : f32 to vector<16xf32>
        %broadcast_in_dim3A_200 = arith.constant 1073741824 : i32
        %broadcast_in_dim3A_201 = vector.broadcast %broadcast_in_dim3A_200 : i32 to vector<16xi32>
        %while3A_202 = arith.constant 0 : i32
        %while3A_203 = arith.subi %shift_right_arithmetic3A_87, %while3A_202 : i32
        %while3A_204 = arith.addi %while3A_202, %while3A_203 : i32
        %while3A_205 = arith.constant 1 : i32
        %while3A_206 = arith.divsi %while3A_203, %while3A_205 : i32
        %while3A_207 = arith.muli %while3A_206, %while3A_205 : i32
        %while3A_208 = arith.addi %while3A_202, %while3A_207 : i32
        %while3A_209 = arith.constant 1 : i32
        %while3A_210:2 = scf.for %while3A_236 = %while3A_202 to %while3A_208 step %while3A_209 iter_args(%while3A_237 = %broadcast_in_dim3A_199, %while3A_238 = %broadcast_in_dim3A_201) -> (vector<16xf32>, vector<16xi32>)  : i32 {
          %mul3A_239 = arith.constant 16 : i32
          %mul3A_240 = arith.muli %while3A_236, %mul3A_239 : i32
          %get3A_241 = arith.index_cast %mul3A_240 : i32 to index
          %get3A_242 = tpu.vector_load %arg11[%get3A_241] {strides = array<i32>} : memref<1040xf32, #tpu.memory_space<vmem>>, vector<16xf32>,
          %mul3A_243 = arith.constant 16 : i32
          %mul3A_244 = arith.muli %while3A_236, %mul3A_243 : i32
          %add3A_245 = vector.broadcast %mul3A_244 : i32 to vector<16xi32>
          %add3A_246 = arith.addi %add3A_245, %iota3A : vector<16xi32>
          %lt3A_247 = arith.cmpf olt, %get3A_242, %while3A_237 : vector<16xf32>
          %select_n3A_248 = arith.select %lt3A_247, %get3A_242, %while3A_237 : vector<16xi1>, vector<16xf32>
          %select_n3A_249 = arith.select %lt3A_247, %add3A_246, %while3A_238 : vector<16xi1>, vector<16xi32>
          scf.yield %select_n3A_248, %select_n3A_249 : vector<16xf32>, vector<16xi32>
        }
        %while3A_211 = arith.constant 1 : i32
        %while3A_212:2 = scf.for %while3A_236 = %while3A_208 to %while3A_204 step %while3A_211 iter_args(%while3A_237 = %while3A_210#0, %while3A_238 = %while3A_210#1) -> (vector<16xf32>, vector<16xi32>)  : i32 {
          %mul3A_239 = arith.constant 16 : i32
          %mul3A_240 = arith.muli %while3A_236, %mul3A_239 : i32
          %get3A_241 = arith.index_cast %mul3A_240 : i32 to index
          %get3A_242 = tpu.vector_load %arg11[%get3A_241] {strides = array<i32>} : memref<1040xf32, #tpu.memory_space<vmem>>, vector<16xf32>,
          %mul3A_243 = arith.constant 16 : i32
          %mul3A_244 = arith.muli %while3A_236, %mul3A_243 : i32
          %add3A_245 = vector.broadcast %mul3A_244 : i32 to vector<16xi32>
          %add3A_246 = arith.addi %add3A_245, %iota3A : vector<16xi32>
          %lt3A_247 = arith.cmpf olt, %get3A_242, %while3A_237 : vector<16xf32>
          %select_n3A_248 = arith.select %lt3A_247, %get3A_242, %while3A_237 : vector<16xi1>, vector<16xf32>
          %select_n3A_249 = arith.select %lt3A_247, %add3A_246, %while3A_238 : vector<16xi1>, vector<16xi32>
          scf.yield %select_n3A_248, %select_n3A_249 : vector<16xf32>, vector<16xi32>
        }
        %reduce_min3A_213 = arith.constant true
        %reduce_min3A_214 = vector.broadcast %reduce_min3A_213 : i1 to vector<16xi1>
        %reduce_min3A_215 = tpu.scan <min>, %while3A_212#0 masked %reduce_min3A_214 : vector<16xf32>, vector<16xi1> -> vector<16xf32>
        %reduce_min3A_216 = vector.extract %reduce_min3A_215[15] : f32 from vector<16xf32>
        %eq3A_217 = vector.broadcast %reduce_min3A_216 : f32 to vector<16xf32>
        %eq3A_218 = arith.cmpf oeq, %while3A_212#0, %eq3A_217 : vector<16xf32>
        %jit3A_219 = arith.constant 1073741824 : i32
        %broadcast_in_dim3A_220 = vector.broadcast %jit3A_219 : i32 to vector<16xi32>
        %select_n3A_221 = arith.select %eq3A_218, %while3A_212#1, %broadcast_in_dim3A_220 : vector<16xi1>, vector<16xi32>
        %reduce_min3A_222 = arith.constant true
        %reduce_min3A_223 = vector.broadcast %reduce_min3A_222 : i1 to vector<16xi1>
        %reduce_min3A_224 = arith.constant -2147483648 : i32
        %reduce_min3A_225 = vector.broadcast %reduce_min3A_224 : i32 to vector<16xi32>
        %reduce_min3A_226 = arith.xori %select_n3A_221, %reduce_min3A_225 : vector<16xi32>
        %reduce_min3A_227 = tpu.scan <min>, %reduce_min3A_226 masked %reduce_min3A_223 : vector<16xi32>, vector<16xi1> -> vector<16xi32>
        %reduce_min3A_228 = arith.xori %reduce_min3A_227, %reduce_min3A_225 : vector<16xi32>
        %reduce_min3A_229 = vector.extract %reduce_min3A_228[15] : i32 from vector<16xi32>
        %broadcast_in_dim3A_230 = vector.broadcast %reduce_min3A_229 : i32 to vector<16xi32>
        %gather3A = tpu.vector_load_idx %arg12[%broadcast_in_dim3A_230] : memref<1040xi32, #tpu.memory_space<vmem>>[vector<16xi32>], vector<16xi32>,
        %broadcast_in_dim3A_231 = vector.broadcast %scan3A_196 : i32 to vector<16xi32>
        %broadcast_in_dim3A_232 = vector.broadcast %reduce_min3A_216 : f32 to vector<16xf32>
        tpu.vector_store_idx %arg13[%broadcast_in_dim3A_231], %broadcast_in_dim3A_232 masked %eq3A_4 : memref<32xf32, #tpu.memory_space<vmem>>[vector<16xi32>], vector<16xf32>, vector<16xi1>
        tpu.vector_store_idx %arg14[%broadcast_in_dim3A_231], %gather3A masked %eq3A_4 : memref<32xi32, #tpu.memory_space<vmem>>[vector<16xi32>], vector<16xi32>, vector<16xi1>
        %broadcast_in_dim3A_233 = arith.constant 1.000000e+30 : f32
        %broadcast_in_dim3A_234 = vector.broadcast %broadcast_in_dim3A_233 : f32 to vector<16xf32>
        tpu.vector_store_idx %arg11[%broadcast_in_dim3A_230], %broadcast_in_dim3A_234 masked %eq3A_4 : memref<1040xf32, #tpu.memory_space<vmem>>[vector<16xi32>], vector<16xf32>, vector<16xi1>
        %scan3A_235 = arith.constant 0 : i32
        scf.yield %scan3A_235 : i32
      }
      %scan3A_94 = arith.constant 32 : i32
      %get3A = arith.constant 0 : index
      %get3A_95 = tpu.vector_load %arg13[%get3A] {strides = array<i32>} : memref<32xf32, #tpu.memory_space<vmem>>, vector<16xf32>,
      %get3A_96 = arith.constant 16 : index
      %get3A_97 = tpu.vector_load %arg13[%get3A_96] {strides = array<i32>} : memref<32xf32, #tpu.memory_space<vmem>>, vector<16xf32>,
      %add3A_98 = arith.constant 1.000000e-03 : f32
      %add3A_99 = vector.broadcast %add3A_98 : f32 to vector<16xf32>
      %add3A_100 = arith.addf %get3A_95, %add3A_99 : vector<16xf32>
      %div3A = arith.constant 1.000000e+00 : f32
      %div3A_101 = vector.broadcast %div3A : f32 to vector<16xf32>
      %div3A_102 = arith.divf %div3A_101, %add3A_100 : vector<16xf32>
      %mul3A_103 = arith.mulf %add3A_100, %div3A_102 : vector<16xf32>
      %sub3A = arith.constant 2.000000e+00 : f32
      %sub3A_104 = vector.broadcast %sub3A : f32 to vector<16xf32>
      %sub3A_105 = arith.subf %sub3A_104, %mul3A_103 : vector<16xf32>
      %mul3A_106 = arith.mulf %div3A_102, %sub3A_105 : vector<16xf32>
      %mul3A_107 = arith.mulf %add3A_100, %mul3A_106 : vector<16xf32>
      %sub3A_108 = arith.constant 2.000000e+00 : f32
      %sub3A_109 = vector.broadcast %sub3A_108 : f32 to vector<16xf32>
      %sub3A_110 = arith.subf %sub3A_109, %mul3A_107 : vector<16xf32>
      %mul3A_111 = arith.mulf %mul3A_106, %sub3A_110 : vector<16xf32>
      %add3A_112 = arith.constant 1.000000e-03 : f32
      %add3A_113 = vector.broadcast %add3A_112 : f32 to vector<16xf32>
      %add3A_114 = arith.addf %get3A_97, %add3A_113 : vector<16xf32>
      %div3A_115 = arith.constant 1.000000e+00 : f32
      %div3A_116 = vector.broadcast %div3A_115 : f32 to vector<16xf32>
      %div3A_117 = arith.divf %div3A_116, %add3A_114 : vector<16xf32>
      %mul3A_118 = arith.mulf %add3A_114, %div3A_117 : vector<16xf32>
      %sub3A_119 = arith.constant 2.000000e+00 : f32
      %sub3A_120 = vector.broadcast %sub3A_119 : f32 to vector<16xf32>
      %sub3A_121 = arith.subf %sub3A_120, %mul3A_118 : vector<16xf32>
      %mul3A_122 = arith.mulf %div3A_117, %sub3A_121 : vector<16xf32>
      %mul3A_123 = arith.mulf %add3A_114, %mul3A_122 : vector<16xf32>
      %sub3A_124 = arith.constant 2.000000e+00 : f32
      %sub3A_125 = vector.broadcast %sub3A_124 : f32 to vector<16xf32>
      %sub3A_126 = arith.subf %sub3A_125, %mul3A_123 : vector<16xf32>
      %mul3A_127 = arith.mulf %mul3A_122, %sub3A_126 : vector<16xf32>
      %reduce_sum3A = arith.constant true
      %reduce_sum3A_128 = vector.broadcast %reduce_sum3A : i1 to vector<16xi1>
      %reduce_sum3A_129 = tpu.scan <sum>, %mul3A_111 masked %reduce_sum3A_128 : vector<16xf32>, vector<16xi1> -> vector<16xf32>
      %reduce_sum3A_130 = vector.extract %reduce_sum3A_129[15] : f32 from vector<16xf32>
      %reduce_sum3A_131 = arith.constant true
      %reduce_sum3A_132 = vector.broadcast %reduce_sum3A_131 : i1 to vector<16xi1>
      %reduce_sum3A_133 = tpu.scan <sum>, %mul3A_127 masked %reduce_sum3A_132 : vector<16xf32>, vector<16xi1> -> vector<16xf32>
      %reduce_sum3A_134 = vector.extract %reduce_sum3A_133[15] : f32 from vector<16xf32>
      %add3A_135 = arith.addf %reduce_sum3A_130, %reduce_sum3A_134 : f32
      %broadcast_in_dim3A_136 = vector.broadcast %add3A_135 : f32 to vector<16xf32>
      %div3A_137 = arith.constant 1.000000e+00 : f32
      %div3A_138 = vector.broadcast %div3A_137 : f32 to vector<16xf32>
      %div3A_139 = arith.divf %div3A_138, %broadcast_in_dim3A_136 : vector<16xf32>
      %mul3A_140 = arith.mulf %broadcast_in_dim3A_136, %div3A_139 : vector<16xf32>
      %sub3A_141 = arith.constant 2.000000e+00 : f32
      %sub3A_142 = vector.broadcast %sub3A_141 : f32 to vector<16xf32>
      %sub3A_143 = arith.subf %sub3A_142, %mul3A_140 : vector<16xf32>
      %mul3A_144 = arith.mulf %div3A_139, %sub3A_143 : vector<16xf32>
      %mul3A_145 = arith.mulf %broadcast_in_dim3A_136, %mul3A_144 : vector<16xf32>
      %sub3A_146 = arith.constant 2.000000e+00 : f32
      %sub3A_147 = vector.broadcast %sub3A_146 : f32 to vector<16xf32>
      %sub3A_148 = arith.subf %sub3A_147, %mul3A_145 : vector<16xf32>
      %mul3A_149 = arith.mulf %mul3A_144, %sub3A_148 : vector<16xf32>
      %mul3A_150 = arith.mulf %mul3A_111, %mul3A_149 : vector<16xf32>
      %swap3A_151 = arith.constant 0 : index
      %swap3A_152 = tpu.vector_load %arg15[%swap3A_151] {strides = array<i32>} : memref<32xf32, #tpu.memory_space<vmem>>, vector<16xf32>,
      tpu.vector_store %arg15[%swap3A_151], %mul3A_150 {strides = array<i32>} : memref<32xf32, #tpu.memory_space<vmem>>, vector<16xf32>,
      %mul3A_153 = arith.mulf %mul3A_127, %mul3A_149 : vector<16xf32>
      %swap3A_154 = arith.constant 16 : index
      %swap3A_155 = tpu.vector_load %arg15[%swap3A_154] {strides = array<i32>} : memref<32xf32, #tpu.memory_space<vmem>>, vector<16xf32>,
      tpu.vector_store %arg15[%swap3A_154], %mul3A_153 {strides = array<i32>} : memref<32xf32, #tpu.memory_space<vmem>>, vector<16xf32>,
      %dma_start3A = arith.constant 0 : i32
      %dma_start3A_156 = arith.constant 0 : i32
      %dma_start3A_157 = tpu.memref_slice %arg4[%dma_start3A, %dma_start3A_156] : memref<100352x128xf32, #tpu.memory_space<hbm>> -> memref<100352x128xf32, #tpu.memory_space<hbm>>
      tpu.enqueue_indirect_dma source(%dma_start3A_157 : memref<100352x128xf32, #tpu.memory_space<hbm>>) target(%arg16 : memref<32x128xf32, #tpu.memory_space<vmem>>) offsets(%arg14 : memref<32xi32, #tpu.memory_space<vmem>>) semaphore(%arg20 : memref<!tpu.dma_semaphore, #tpu.memory_space<semaphore_mem>>)
      %dma_wait3A = arith.constant 0 : i32
      %dma_wait3A_158 = arith.constant 0 : i32
      %dma_wait3A_159 = tpu.memref_slice %arg4[%dma_wait3A, %dma_wait3A_158] : memref<100352x128xf32, #tpu.memory_space<hbm>> -> memref<100352x128xf32, #tpu.memory_space<hbm>>
      tpu.wait_indirect_dma semaphore(%arg20 : memref<!tpu.dma_semaphore, #tpu.memory_space<semaphore_mem>>) src(%dma_wait3A_159 : memref<100352x128xf32, #tpu.memory_space<hbm>>) dst(%arg16 : memref<32x128xf32, #tpu.memory_space<vmem>>)
      %broadcast_in_dim3A_160 = arith.constant 0.000000e+00 : f32
      %broadcast_in_dim3A_161 = vector.broadcast %broadcast_in_dim3A_160 : f32 to vector<16xf32>
      %scan3A_162 = arith.constant 0 : i32
      %scan3A_163 = arith.constant 32 : i32
      %scan3A_164 = arith.addi %scan3A_162, %scan3A_163 : i32
      %scan3A_165 = arith.constant 1 : i32
      %scan3A_166 = scf.for %scan3A_196 = %scan3A_162 to %scan3A_164 step %scan3A_165 iter_args(%scan3A_197 = %broadcast_in_dim3A_161) -> (vector<16xf32>)  : i32 {
        %broadcast_in_dim3A_198 = vector.broadcast %scan3A_196 : i32 to vector<16xi32>
        %gather3A = tpu.vector_load_idx %arg15[%broadcast_in_dim3A_198] : memref<32xf32, #tpu.memory_space<vmem>>[vector<16xi32>], vector<16xf32>,
        %gather3A_199 = tpu.vector_load_idx %arg16[%broadcast_in_dim3A_198, %iota3A] : memref<32x128xf32, #tpu.memory_space<vmem>>[vector<16xi32>, vector<16xi32>], vector<16xf32>,
        %mul3A_200 = arith.mulf %gather3A, %gather3A_199 : vector<16xf32>
        %add3A_201 = arith.addf %scan3A_197, %mul3A_200 : vector<16xf32>
        scf.yield %add3A_201 : vector<16xf32>
      }
      %scan3A_167 = arith.constant 32 : i32
      "tpu.region"() ({
        %run_scoped3A = tpu.sem_alloc : memref<!tpu.dma_semaphore, #tpu.memory_space<semaphore_mem>>
        %dma_start3A_196 = arith.constant 0 : i32
        %dma_start3A_197 = tpu.memref_slice %arg5[%add3A_11, %dma_start3A_196] : memref<1024x128xf32, #tpu.memory_space<hbm>> -> memref<1x128xf32, #tpu.memory_space<hbm>>
        %dma_start3A_198 = tpu.memref_squeeze %dma_start3A_197 : memref<1x128xf32, #tpu.memory_space<hbm>> -> memref<128xf32, #tpu.memory_space<hbm>>
        %dma_start3A_199 = arith.constant 0 : i32
        %dma_start3A_200 = tpu.memref_slice %arg5[%add3A_11, %dma_start3A_199] : memref<1024x128xf32, #tpu.memory_space<hbm>> -> memref<1x128xf32, #tpu.memory_space<hbm>>
        %dma_start3A_201 = tpu.memref_squeeze %dma_start3A_200 : memref<1x128xf32, #tpu.memory_space<hbm>> -> memref<128xf32, #tpu.memory_space<hbm>>
        tpu.enqueue_dma source(%dma_start3A_201 : memref<128xf32, #tpu.memory_space<hbm>>) target(%arg19 : memref<128xf32, #tpu.memory_space<vmem>>) target_semaphore(%run_scoped3A : memref<!tpu.dma_semaphore, #tpu.memory_space<semaphore_mem>>)
        %dma_wait3A_202 = arith.constant 0 : i32
        %dma_wait3A_203 = tpu.memref_slice %arg5[%add3A_11, %dma_wait3A_202] : memref<1024x128xf32, #tpu.memory_space<hbm>> -> memref<1x128xf32, #tpu.memory_space<hbm>>
        %dma_wait3A_204 = tpu.memref_squeeze %dma_wait3A_203 : memref<1x128xf32, #tpu.memory_space<hbm>> -> memref<128xf32, #tpu.memory_space<hbm>>
        %dma_wait3A_205 = arith.constant 0 : i32
        %dma_wait3A_206 = tpu.memref_slice %arg5[%add3A_11, %dma_wait3A_205] : memref<1024x128xf32, #tpu.memory_space<hbm>> -> memref<1x128xf32, #tpu.memory_space<hbm>>
        %dma_wait3A_207 = tpu.memref_squeeze %dma_wait3A_206 : memref<1x128xf32, #tpu.memory_space<hbm>> -> memref<128xf32, #tpu.memory_space<hbm>>
        tpu.wait_dma2 semaphore(%run_scoped3A : memref<!tpu.dma_semaphore, #tpu.memory_space<semaphore_mem>>) src(%dma_wait3A_207 : memref<128xf32, #tpu.memory_space<hbm>>) dst(%arg19 : memref<128xf32, #tpu.memory_space<vmem>>)
        tpu.yield
      }) : () -> ()
      %get3A_168 = arith.constant 0 : index
      %get3A_169 = tpu.vector_load %arg19[%get3A_168] {strides = array<i32>} : memref<128xf32, #tpu.memory_space<vmem>>, vector<16xf32>,
      %add3A_170 = arith.addf %scan3A_166, %get3A_169 : vector<16xf32>
      %mul3A_171 = arith.constant 5.000000e-01 : f32
      %mul3A_172 = vector.broadcast %mul3A_171 : f32 to vector<16xf32>
      %mul3A_173 = arith.mulf %mul3A_172, %add3A_170 : vector<16xf32>
      %broadcast_in_dim3A_174 = vector.broadcast %scan3A_10 : i32 to vector<16xi32>
      tpu.vector_store_idx %arg17[%broadcast_in_dim3A_174, %iota3A], %mul3A_173 : memref<32x16xf32, #tpu.memory_space<vmem>>[vector<16xi32>, vector<16xi32>], vector<16xf32>,
      %lt3A = arith.constant 6 : i32
      %lt3A_175 = vector.broadcast %lt3A : i32 to vector<16xi32>
      %lt3A_176 = arith.cmpi slt, %iota3A, %lt3A_175 : vector<16xi32>
      %jit3A = arith.constant -1.000000e+30 : f32
      %broadcast_in_dim3A_177 = vector.broadcast %jit3A : f32 to vector<16xf32>
      %select_n3A = arith.select %lt3A_176, %mul3A_173, %broadcast_in_dim3A_177 : vector<16xi1>, vector<16xf32>
      %reduce_max3A_178 = arith.constant true
      %reduce_max3A_179 = vector.broadcast %reduce_max3A_178 : i1 to vector<16xi1>
      %reduce_max3A_180 = tpu.scan <max>, %select_n3A masked %reduce_max3A_179 : vector<16xf32>, vector<16xi1> -> vector<16xf32>
      %reduce_max3A_181 = vector.extract %reduce_max3A_180[15] : f32 from vector<16xf32>
      %eq3A_182 = vector.broadcast %reduce_max3A_181 : f32 to vector<16xf32>
      %eq3A_183 = arith.cmpf oeq, %select_n3A, %eq3A_182 : vector<16xf32>
      %jit3A_184 = arith.constant 64 : i32
      %broadcast_in_dim3A_185 = vector.broadcast %jit3A_184 : i32 to vector<16xi32>
      %select_n3A_186 = arith.select %eq3A_183, %iota3A, %broadcast_in_dim3A_185 : vector<16xi1>, vector<16xi32>
      %reduce_min3A = arith.constant true
      %reduce_min3A_187 = vector.broadcast %reduce_min3A : i1 to vector<16xi1>
      %reduce_min3A_188 = arith.constant -2147483648 : i32
      %reduce_min3A_189 = vector.broadcast %reduce_min3A_188 : i32 to vector<16xi32>
      %reduce_min3A_190 = arith.xori %select_n3A_186, %reduce_min3A_189 : vector<16xi32>
      %reduce_min3A_191 = tpu.scan <min>, %reduce_min3A_190 masked %reduce_min3A_187 : vector<16xi32>, vector<16xi1> -> vector<16xi32>
      %reduce_min3A_192 = arith.xori %reduce_min3A_191, %reduce_min3A_189 : vector<16xi32>
      %reduce_min3A_193 = vector.extract %reduce_min3A_192[15] : i32 from vector<16xi32>
      %broadcast_in_dim3A_194 = vector.broadcast %scan3A_10 : i32 to vector<16xi32>
      %broadcast_in_dim3A_195 = vector.broadcast %reduce_min3A_193 : i32 to vector<16xi32>
      tpu.vector_store_idx %arg18[%broadcast_in_dim3A_194], %broadcast_in_dim3A_195 masked %eq3A_4 : memref<32xi32, #tpu.memory_space<vmem>>[vector<16xi32>], vector<16xi32>, vector<16xi1>
    }
    %scan3A_9 = arith.constant 32 : i32
    "tpu.region"() ({
      %run_scoped3A = tpu.sem_alloc : memref<!tpu.dma_semaphore, #tpu.memory_space<semaphore_mem>>
      %dma_start3A = arith.constant 0 : i32
      %dma_start3A_10 = tpu.memref_slice %arg6[%mul3A_2, %dma_start3A] : memref<1024x16xf32, #tpu.memory_space<hbm>> -> memref<32x16xf32, #tpu.memory_space<hbm>>
      %dma_start3A_11 = arith.constant 0 : i32
      %dma_start3A_12 = tpu.memref_slice %arg6[%mul3A_2, %dma_start3A_11] : memref<1024x16xf32, #tpu.memory_space<hbm>> -> memref<32x16xf32, #tpu.memory_space<hbm>>
      tpu.enqueue_dma source(%arg17 : memref<32x16xf32, #tpu.memory_space<vmem>>) target(%dma_start3A_12 : memref<32x16xf32, #tpu.memory_space<hbm>>) target_semaphore(%run_scoped3A : memref<!tpu.dma_semaphore, #tpu.memory_space<semaphore_mem>>)
      %dma_wait3A = arith.constant 0 : i32
      %dma_wait3A_13 = tpu.memref_slice %arg6[%mul3A_2, %dma_wait3A] : memref<1024x16xf32, #tpu.memory_space<hbm>> -> memref<32x16xf32, #tpu.memory_space<hbm>>
      %dma_wait3A_14 = arith.constant 0 : i32
      %dma_wait3A_15 = tpu.memref_slice %arg6[%mul3A_2, %dma_wait3A_14] : memref<1024x16xf32, #tpu.memory_space<hbm>> -> memref<32x16xf32, #tpu.memory_space<hbm>>
      tpu.wait_dma2 semaphore(%run_scoped3A : memref<!tpu.dma_semaphore, #tpu.memory_space<semaphore_mem>>) src(%arg17 : memref<32x16xf32, #tpu.memory_space<vmem>>) dst(%dma_wait3A_15 : memref<32x16xf32, #tpu.memory_space<hbm>>)
      tpu.yield
    }) : () -> ()
    "tpu.region"() ({
      %run_scoped3A = tpu.sem_alloc : memref<!tpu.dma_semaphore, #tpu.memory_space<semaphore_mem>>
      %dma_start3A = tpu.memref_slice %arg7[%mul3A_2] : memref<1024xi32, #tpu.memory_space<hbm>> -> memref<32xi32, #tpu.memory_space<hbm>>
      %dma_start3A_10 = tpu.memref_slice %arg7[%mul3A_2] : memref<1024xi32, #tpu.memory_space<hbm>> -> memref<32xi32, #tpu.memory_space<hbm>>
      tpu.enqueue_dma source(%arg18 : memref<32xi32, #tpu.memory_space<vmem>>) target(%dma_start3A_10 : memref<32xi32, #tpu.memory_space<hbm>>) target_semaphore(%run_scoped3A : memref<!tpu.dma_semaphore, #tpu.memory_space<semaphore_mem>>)
      %dma_wait3A = tpu.memref_slice %arg7[%mul3A_2] : memref<1024xi32, #tpu.memory_space<hbm>> -> memref<32xi32, #tpu.memory_space<hbm>>
      %dma_wait3A_11 = tpu.memref_slice %arg7[%mul3A_2] : memref<1024xi32, #tpu.memory_space<hbm>> -> memref<32xi32, #tpu.memory_space<hbm>>
      tpu.wait_dma2 semaphore(%run_scoped3A : memref<!tpu.dma_semaphore, #tpu.memory_space<semaphore_mem>>) src(%arg18 : memref<32xi32, #tpu.memory_space<vmem>>) dst(%dma_wait3A_11 : memref<32xi32, #tpu.memory_space<hbm>>)
      tpu.yield
    }) : () -> ()
    return
  }
}

module attributes {stable_mosaic.version = 14 : i64} {
  func.func @_k1_body(%arg0: i32, %arg1: i32, %arg2: memref<256x128xf32, #tpu.memory_space<vmem>>, %arg3: memref<128x2048xf32, #tpu.memory_space<vmem>>, %arg4: memref<128x64xf32, #tpu.memory_space<vmem>>, %arg5: memref<8x64xf32, #tpu.memory_space<vmem>>, %arg6: memref<64x64xf32, #tpu.memory_space<vmem>>, %arg7: memref<8x64xf32, #tpu.memory_space<vmem>>, %arg8: memref<64x128xf32, #tpu.memory_space<vmem>>, %arg9: memref<8x128xf32, #tpu.memory_space<vmem>>, %arg10: memref<256x16x128xf32, #tpu.memory_space<vmem>>, %arg11: memref<1x256x16xf32, #tpu.memory_space<vmem>>, %arg12: memref<256x128xf32, #tpu.memory_space<vmem>>, %arg13: memref<1024x1xf32, #tpu.memory_space<vmem>>, %arg14: memref<1x2048xf32, #tpu.memory_space<vmem>>) attributes {dimension_semantics = [#tpu.dimension_semantics<arbitrary>, #tpu.dimension_semantics<arbitrary>], iteration_bounds = array<i64: 49, 4>, scalar_prefetch = 0 : i64, scratch_operands = 2 : i64, tpu.core_type = #tpu.core_type<tc>, window_params = [{transform_indices = @transform_0, window_bounds = array<i64: 256, 128>}, {transform_indices = @transform_1, window_bounds = array<i64: 128, 2048>}, {pipeline_mode = #tpu.pipeline_mode<synchronous>, transform_indices = @transform_2, window_bounds = array<i64: 128, 64>}, {pipeline_mode = #tpu.pipeline_mode<synchronous>, transform_indices = @transform_3, window_bounds = array<i64: 8, 64>}, {pipeline_mode = #tpu.pipeline_mode<synchronous>, transform_indices = @transform_4, window_bounds = array<i64: 64, 64>}, {pipeline_mode = #tpu.pipeline_mode<synchronous>, transform_indices = @transform_5, window_bounds = array<i64: 8, 64>}, {pipeline_mode = #tpu.pipeline_mode<synchronous>, transform_indices = @transform_6, window_bounds = array<i64: 64, 128>}, {pipeline_mode = #tpu.pipeline_mode<synchronous>, transform_indices = @transform_7, window_bounds = array<i64: 8, 128>}, {transform_indices = @transform_8, window_bounds = array<i64: 256, 16, 128>}, {transform_indices = @transform_9, window_bounds = array<i64: 1, 256, 16>}, {transform_indices = @transform_10, window_bounds = array<i64: 256, 128>}]} {
    %get3A = arith.constant 0 : index
    %get3A_0 = arith.constant 0 : index
    %get3A_1 = vector.load %arg2[%get3A, %get3A_0] : memref<256x128xf32, #tpu.memory_space<vmem>>, vector<256x128xf32>
    %get3A_2 = arith.constant 0 : index
    %get3A_3 = arith.constant 0 : index
    %get3A_4 = vector.load %arg3[%get3A_2, %get3A_3] : memref<128x2048xf32, #tpu.memory_space<vmem>>, vector<128x2048xf32>
    %eq3A = arith.constant 0 : i32
    %eq3A_5 = arith.cmpi eq, %arg0, %eq3A : i32
    %convert_element_type3A = arith.extui %eq3A_5 : i1 to i32
    %cond3A = arith.constant 0 : i32
    %cond3A_6 = arith.cmpi ne, %convert_element_type3A, %cond3A : i32
    scf.if %cond3A_6 {
      %mul3A_71 = arith.mulf %get3A_1, %get3A_1 : vector<256x128xf32>
      %slice3A = vector.extract_strided_slice %mul3A_71 {offsets = [0, 0], sizes = [256, 8], strides = [1, 1]} : vector<256x128xf32> to vector<256x8xf32>
      %slice3A_72 = vector.extract_strided_slice %mul3A_71 {offsets = [0, 8], sizes = [256, 8], strides = [1, 1]} : vector<256x128xf32> to vector<256x8xf32>
      %add3A_73 = arith.addf %slice3A, %slice3A_72 : vector<256x8xf32>
      %slice3A_74 = vector.extract_strided_slice %mul3A_71 {offsets = [0, 16], sizes = [256, 8], strides = [1, 1]} : vector<256x128xf32> to vector<256x8xf32>
      %add3A_75 = arith.addf %add3A_73, %slice3A_74 : vector<256x8xf32>
      %slice3A_76 = vector.extract_strided_slice %mul3A_71 {offsets = [0, 24], sizes = [256, 8], strides = [1, 1]} : vector<256x128xf32> to vector<256x8xf32>
      %add3A_77 = arith.addf %add3A_75, %slice3A_76 : vector<256x8xf32>
      %slice3A_78 = vector.extract_strided_slice %mul3A_71 {offsets = [0, 32], sizes = [256, 8], strides = [1, 1]} : vector<256x128xf32> to vector<256x8xf32>
      %add3A_79 = arith.addf %add3A_77, %slice3A_78 : vector<256x8xf32>
      %slice3A_80 = vector.extract_strided_slice %mul3A_71 {offsets = [0, 40], sizes = [256, 8], strides = [1, 1]} : vector<256x128xf32> to vector<256x8xf32>
      %add3A_81 = arith.addf %add3A_79, %slice3A_80 : vector<256x8xf32>
      %slice3A_82 = vector.extract_strided_slice %mul3A_71 {offsets = [0, 48], sizes = [256, 8], strides = [1, 1]} : vector<256x128xf32> to vector<256x8xf32>
      %add3A_83 = arith.addf %add3A_81, %slice3A_82 : vector<256x8xf32>
      %slice3A_84 = vector.extract_strided_slice %mul3A_71 {offsets = [0, 56], sizes = [256, 8], strides = [1, 1]} : vector<256x128xf32> to vector<256x8xf32>
      %add3A_85 = arith.addf %add3A_83, %slice3A_84 : vector<256x8xf32>
      %slice3A_86 = vector.extract_strided_slice %mul3A_71 {offsets = [0, 64], sizes = [256, 8], strides = [1, 1]} : vector<256x128xf32> to vector<256x8xf32>
      %add3A_87 = arith.addf %add3A_85, %slice3A_86 : vector<256x8xf32>
      %slice3A_88 = vector.extract_strided_slice %mul3A_71 {offsets = [0, 72], sizes = [256, 8], strides = [1, 1]} : vector<256x128xf32> to vector<256x8xf32>
      %add3A_89 = arith.addf %add3A_87, %slice3A_88 : vector<256x8xf32>
      %slice3A_90 = vector.extract_strided_slice %mul3A_71 {offsets = [0, 80], sizes = [256, 8], strides = [1, 1]} : vector<256x128xf32> to vector<256x8xf32>
      %add3A_91 = arith.addf %add3A_89, %slice3A_90 : vector<256x8xf32>
      %slice3A_92 = vector.extract_strided_slice %mul3A_71 {offsets = [0, 88], sizes = [256, 8], strides = [1, 1]} : vector<256x128xf32> to vector<256x8xf32>
      %add3A_93 = arith.addf %add3A_91, %slice3A_92 : vector<256x8xf32>
      %slice3A_94 = vector.extract_strided_slice %mul3A_71 {offsets = [0, 96], sizes = [256, 8], strides = [1, 1]} : vector<256x128xf32> to vector<256x8xf32>
      %add3A_95 = arith.addf %add3A_93, %slice3A_94 : vector<256x8xf32>
      %slice3A_96 = vector.extract_strided_slice %mul3A_71 {offsets = [0, 104], sizes = [256, 8], strides = [1, 1]} : vector<256x128xf32> to vector<256x8xf32>
      %add3A_97 = arith.addf %add3A_95, %slice3A_96 : vector<256x8xf32>
      %slice3A_98 = vector.extract_strided_slice %mul3A_71 {offsets = [0, 112], sizes = [256, 8], strides = [1, 1]} : vector<256x128xf32> to vector<256x8xf32>
      %add3A_99 = arith.addf %add3A_97, %slice3A_98 : vector<256x8xf32>
      %slice3A_100 = vector.extract_strided_slice %mul3A_71 {offsets = [0, 120], sizes = [256, 8], strides = [1, 1]} : vector<256x128xf32> to vector<256x8xf32>
      %add3A_101 = arith.addf %add3A_99, %slice3A_100 : vector<256x8xf32>
      %slice3A_102 = vector.extract_strided_slice %add3A_101 {offsets = [0, 0], sizes = [256, 4], strides = [1, 1]} : vector<256x8xf32> to vector<256x4xf32>
      %slice3A_103 = vector.extract_strided_slice %add3A_101 {offsets = [0, 4], sizes = [256, 4], strides = [1, 1]} : vector<256x8xf32> to vector<256x4xf32>
      %add3A_104 = arith.addf %slice3A_102, %slice3A_103 : vector<256x4xf32>
      %slice3A_105 = vector.extract_strided_slice %add3A_104 {offsets = [0, 0], sizes = [256, 2], strides = [1, 1]} : vector<256x4xf32> to vector<256x2xf32>
      %slice3A_106 = vector.extract_strided_slice %add3A_104 {offsets = [0, 2], sizes = [256, 2], strides = [1, 1]} : vector<256x4xf32> to vector<256x2xf32>
      %add3A_107 = arith.addf %slice3A_105, %slice3A_106 : vector<256x2xf32>
      %slice3A_108 = vector.extract_strided_slice %add3A_107 {offsets = [0, 0], sizes = [256, 1], strides = [1, 1]} : vector<256x2xf32> to vector<256x1xf32>
      %slice3A_109 = vector.extract_strided_slice %add3A_107 {offsets = [0, 1], sizes = [256, 1], strides = [1, 1]} : vector<256x2xf32> to vector<256x1xf32>
      %add3A_110 = arith.addf %slice3A_108, %slice3A_109 : vector<256x1xf32>
      %mul3A_111 = arith.constant 256 : i32
      %mul3A_112 = arith.muli %arg1, %mul3A_111 : i32
      %swap3A_113 = arith.index_cast %mul3A_112 : i32 to index
      %swap3A_114 = arith.constant 0 : index
      %swap3A_115 = vector.load %arg13[%swap3A_113, %swap3A_114] : memref<1024x1xf32, #tpu.memory_space<vmem>>, vector<256x1xf32>
      tpu.vector_store %arg13[%swap3A_113, %swap3A_114], %add3A_110 {strides = array<i32>} : memref<1024x1xf32, #tpu.memory_space<vmem>>, vector<256x1xf32>,
    } else {
    }
    %eq3A_7 = arith.constant 0 : i32
    %eq3A_8 = arith.cmpi eq, %arg1, %eq3A_7 : i32
    %convert_element_type3A_9 = arith.extui %eq3A_8 : i1 to i32
    %cond3A_10 = arith.constant 0 : i32
    %cond3A_11 = arith.cmpi ne, %convert_element_type3A_9, %cond3A_10 : i32
    scf.if %cond3A_11 {
      %mul3A_71 = arith.mulf %get3A_4, %get3A_4 : vector<128x2048xf32>
      %slice3A = vector.extract_strided_slice %mul3A_71 {offsets = [0, 0], sizes = [8, 2048], strides = [1, 1]} : vector<128x2048xf32> to vector<8x2048xf32>
      %slice3A_72 = vector.extract_strided_slice %mul3A_71 {offsets = [8, 0], sizes = [8, 2048], strides = [1, 1]} : vector<128x2048xf32> to vector<8x2048xf32>
      %add3A_73 = arith.addf %slice3A, %slice3A_72 : vector<8x2048xf32>
      %slice3A_74 = vector.extract_strided_slice %mul3A_71 {offsets = [16, 0], sizes = [8, 2048], strides = [1, 1]} : vector<128x2048xf32> to vector<8x2048xf32>
      %add3A_75 = arith.addf %add3A_73, %slice3A_74 : vector<8x2048xf32>
      %slice3A_76 = vector.extract_strided_slice %mul3A_71 {offsets = [24, 0], sizes = [8, 2048], strides = [1, 1]} : vector<128x2048xf32> to vector<8x2048xf32>
      %add3A_77 = arith.addf %add3A_75, %slice3A_76 : vector<8x2048xf32>
      %slice3A_78 = vector.extract_strided_slice %mul3A_71 {offsets = [32, 0], sizes = [8, 2048], strides = [1, 1]} : vector<128x2048xf32> to vector<8x2048xf32>
      %add3A_79 = arith.addf %add3A_77, %slice3A_78 : vector<8x2048xf32>
      %slice3A_80 = vector.extract_strided_slice %mul3A_71 {offsets = [40, 0], sizes = [8, 2048], strides = [1, 1]} : vector<128x2048xf32> to vector<8x2048xf32>
      %add3A_81 = arith.addf %add3A_79, %slice3A_80 : vector<8x2048xf32>
      %slice3A_82 = vector.extract_strided_slice %mul3A_71 {offsets = [48, 0], sizes = [8, 2048], strides = [1, 1]} : vector<128x2048xf32> to vector<8x2048xf32>
      %add3A_83 = arith.addf %add3A_81, %slice3A_82 : vector<8x2048xf32>
      %slice3A_84 = vector.extract_strided_slice %mul3A_71 {offsets = [56, 0], sizes = [8, 2048], strides = [1, 1]} : vector<128x2048xf32> to vector<8x2048xf32>
      %add3A_85 = arith.addf %add3A_83, %slice3A_84 : vector<8x2048xf32>
      %slice3A_86 = vector.extract_strided_slice %mul3A_71 {offsets = [64, 0], sizes = [8, 2048], strides = [1, 1]} : vector<128x2048xf32> to vector<8x2048xf32>
      %add3A_87 = arith.addf %add3A_85, %slice3A_86 : vector<8x2048xf32>
      %slice3A_88 = vector.extract_strided_slice %mul3A_71 {offsets = [72, 0], sizes = [8, 2048], strides = [1, 1]} : vector<128x2048xf32> to vector<8x2048xf32>
      %add3A_89 = arith.addf %add3A_87, %slice3A_88 : vector<8x2048xf32>
      %slice3A_90 = vector.extract_strided_slice %mul3A_71 {offsets = [80, 0], sizes = [8, 2048], strides = [1, 1]} : vector<128x2048xf32> to vector<8x2048xf32>
      %add3A_91 = arith.addf %add3A_89, %slice3A_90 : vector<8x2048xf32>
      %slice3A_92 = vector.extract_strided_slice %mul3A_71 {offsets = [88, 0], sizes = [8, 2048], strides = [1, 1]} : vector<128x2048xf32> to vector<8x2048xf32>
      %add3A_93 = arith.addf %add3A_91, %slice3A_92 : vector<8x2048xf32>
      %slice3A_94 = vector.extract_strided_slice %mul3A_71 {offsets = [96, 0], sizes = [8, 2048], strides = [1, 1]} : vector<128x2048xf32> to vector<8x2048xf32>
      %add3A_95 = arith.addf %add3A_93, %slice3A_94 : vector<8x2048xf32>
      %slice3A_96 = vector.extract_strided_slice %mul3A_71 {offsets = [104, 0], sizes = [8, 2048], strides = [1, 1]} : vector<128x2048xf32> to vector<8x2048xf32>
      %add3A_97 = arith.addf %add3A_95, %slice3A_96 : vector<8x2048xf32>
      %slice3A_98 = vector.extract_strided_slice %mul3A_71 {offsets = [112, 0], sizes = [8, 2048], strides = [1, 1]} : vector<128x2048xf32> to vector<8x2048xf32>
      %add3A_99 = arith.addf %add3A_97, %slice3A_98 : vector<8x2048xf32>
      %slice3A_100 = vector.extract_strided_slice %mul3A_71 {offsets = [120, 0], sizes = [8, 2048], strides = [1, 1]} : vector<128x2048xf32> to vector<8x2048xf32>
      %add3A_101 = arith.addf %add3A_99, %slice3A_100 : vector<8x2048xf32>
      %slice3A_102 = vector.extract_strided_slice %add3A_101 {offsets = [0, 0], sizes = [4, 2048], strides = [1, 1]} : vector<8x2048xf32> to vector<4x2048xf32>
      %slice3A_103 = vector.extract_strided_slice %add3A_101 {offsets = [4, 0], sizes = [4, 2048], strides = [1, 1]} : vector<8x2048xf32> to vector<4x2048xf32>
      %add3A_104 = arith.addf %slice3A_102, %slice3A_103 : vector<4x2048xf32>
      %slice3A_105 = vector.extract_strided_slice %add3A_104 {offsets = [0, 0], sizes = [2, 2048], strides = [1, 1]} : vector<4x2048xf32> to vector<2x2048xf32>
      %slice3A_106 = vector.extract_strided_slice %add3A_104 {offsets = [2, 0], sizes = [2, 2048], strides = [1, 1]} : vector<4x2048xf32> to vector<2x2048xf32>
      %add3A_107 = arith.addf %slice3A_105, %slice3A_106 : vector<2x2048xf32>
      %slice3A_108 = vector.extract_strided_slice %add3A_107 {offsets = [0, 0], sizes = [1, 2048], strides = [1, 1]} : vector<2x2048xf32> to vector<1x2048xf32>
      %slice3A_109 = vector.extract_strided_slice %add3A_107 {offsets = [1, 0], sizes = [1, 2048], strides = [1, 1]} : vector<2x2048xf32> to vector<1x2048xf32>
      %add3A_110 = arith.addf %slice3A_108, %slice3A_109 : vector<1x2048xf32>
      %swap3A_111 = arith.constant 0 : index
      %swap3A_112 = arith.constant 0 : index
      %swap3A_113 = vector.load %arg14[%swap3A_111, %swap3A_112] : memref<1x2048xf32, #tpu.memory_space<vmem>>, vector<1x2048xf32>
      tpu.vector_store %arg14[%swap3A_111, %swap3A_112], %add3A_110 {strides = array<i32>} : memref<1x2048xf32, #tpu.memory_space<vmem>>, vector<1x2048xf32>,
    } else {
    }
    %mul3A = arith.constant 256 : i32
    %mul3A_12 = arith.muli %arg1, %mul3A : i32
    %get3A_13 = arith.index_cast %mul3A_12 : i32 to index
    %get3A_14 = arith.constant 0 : index
    %get3A_15 = vector.load %arg13[%get3A_13, %get3A_14] : memref<1024x1xf32, #tpu.memory_space<vmem>>, vector<256x1xf32>
    %get3A_16 = arith.constant 0 : index
    %get3A_17 = arith.constant 0 : index
    %get3A_18 = vector.load %arg14[%get3A_16, %get3A_17] : memref<1x2048xf32, #tpu.memory_space<vmem>>, vector<1x2048xf32>
    %dot_general3A = arith.constant dense<0.000000e+00> : vector<256x2048xf32>
    %dot_general3A_19 = tpu.matmul %get3A_1, %get3A_4, %dot_general3A {dimension_numbers = #tpu.dot_dimension_numbers<[1], [0], [0], [1], [0, 0, 1, 1], [], []>, transpose_lhs_hint = false} : vector<256x128xf32>, vector<128x2048xf32>, vector<256x2048xf32> -> vector<256x2048xf32>
    %mul3A_20 = arith.constant 2.000000e+00 : f32
    %mul3A_21 = vector.broadcast %mul3A_20 : f32 to vector<256x2048xf32>
    %mul3A_22 = arith.mulf %mul3A_21, %dot_general3A_19 : vector<256x2048xf32>
    %sub3A = vector.broadcast %get3A_15 : vector<256x1xf32> to vector<256x2048xf32>
    %sub3A_23 = arith.subf %sub3A, %mul3A_22 : vector<256x2048xf32>
    %add3A = vector.broadcast %get3A_18 : vector<1x2048xf32> to vector<256x2048xf32>
    %add3A_24 = arith.addf %sub3A_23, %add3A : vector<256x2048xf32>
    %eq3A_25 = arith.constant 48 : i32
    %eq3A_26 = arith.cmpi eq, %arg0, %eq3A_25 : i32
    %convert_element_type3A_27 = arith.extui %eq3A_26 : i1 to i32
    %cond3A_28 = arith.constant 0 : i32
    %cond3A_29 = arith.cmpi ne, %convert_element_type3A_27, %cond3A_28 : i32
    scf.if %cond3A_29 {
      %mul3A_71 = arith.constant 2048 : i32
      %mul3A_72 = arith.muli %arg0, %mul3A_71 : i32
      %iota3A = tpu.iota {dimensions = array<i32: 1>} : vector<256x2048xi32>
      %add3A_73 = vector.broadcast %mul3A_72 : i32 to vector<256x2048xi32>
      %add3A_74 = arith.addi %add3A_73, %iota3A : vector<256x2048xi32>
      %ge3A = arith.constant 100000 : i32
      %ge3A_75 = vector.broadcast %ge3A : i32 to vector<256x2048xi32>
      %ge3A_76 = arith.cmpi sge, %add3A_74, %ge3A_75 : vector<256x2048xi32>
      %jit3A = arith.constant 1.000000e+30 : f32
      %broadcast_in_dim3A = vector.broadcast %jit3A : f32 to vector<256x2048xf32>
      %select_n3A = arith.select %ge3A_76, %broadcast_in_dim3A, %add3A_24 : vector<256x2048xi1>, vector<256x2048xf32>
      %reshape3A = vector.shape_cast %select_n3A : vector<256x2048xf32> to vector<256x16x128xf32>
      %swap3A_77 = arith.constant 0 : index
      %swap3A_78 = arith.constant 0 : index
      %swap3A_79 = arith.constant 0 : index
      %swap3A_80 = vector.load %arg10[%swap3A_77, %swap3A_78, %swap3A_79] : memref<256x16x128xf32, #tpu.memory_space<vmem>>, vector<256x16x128xf32>
      tpu.vector_store %arg10[%swap3A_77, %swap3A_78, %swap3A_79], %reshape3A {strides = array<i32>} : memref<256x16x128xf32, #tpu.memory_space<vmem>>, vector<256x16x128xf32>,
      %reduce_min3A = arith.constant dense<0x7F800000> : vector<256x16xf32>
      %reduce_min3A_81 = vector.multi_reduction <minimumf>, %reshape3A, %reduce_min3A [2] : vector<256x16x128xf32> to vector<256x16xf32>
      %broadcast_in_dim3A_82 = vector.shape_cast %reduce_min3A_81 : vector<256x16xf32> to vector<1x256x16xf32>
      %swap3A_83 = arith.constant 0 : index
      %swap3A_84 = arith.constant 0 : index
      %swap3A_85 = arith.constant 0 : index
      %swap3A_86 = vector.load %arg11[%swap3A_83, %swap3A_84, %swap3A_85] : memref<1x256x16xf32, #tpu.memory_space<vmem>>, vector<1x256x16xf32>
      tpu.vector_store %arg11[%swap3A_83, %swap3A_84, %swap3A_85], %broadcast_in_dim3A_82 {strides = array<i32>} : memref<1x256x16xf32, #tpu.memory_space<vmem>>, vector<1x256x16xf32>,
    } else {
    }
    %ne3A = arith.constant 48 : i32
    %ne3A_30 = arith.cmpi ne, %arg0, %ne3A : i32
    %convert_element_type3A_31 = arith.extui %ne3A_30 : i1 to i32
    %cond3A_32 = arith.constant 0 : i32
    %cond3A_33 = arith.cmpi ne, %convert_element_type3A_31, %cond3A_32 : i32
    scf.if %cond3A_33 {
      %reshape3A = vector.shape_cast %add3A_24 : vector<256x2048xf32> to vector<256x16x128xf32>
      %swap3A_71 = arith.constant 0 : index
      %swap3A_72 = arith.constant 0 : index
      %swap3A_73 = arith.constant 0 : index
      %swap3A_74 = vector.load %arg10[%swap3A_71, %swap3A_72, %swap3A_73] : memref<256x16x128xf32, #tpu.memory_space<vmem>>, vector<256x16x128xf32>
      tpu.vector_store %arg10[%swap3A_71, %swap3A_72, %swap3A_73], %reshape3A {strides = array<i32>} : memref<256x16x128xf32, #tpu.memory_space<vmem>>, vector<256x16x128xf32>,
      %reduce_min3A = arith.constant dense<0x7F800000> : vector<256x16xf32>
      %reduce_min3A_75 = vector.multi_reduction <minimumf>, %reshape3A, %reduce_min3A [2] : vector<256x16x128xf32> to vector<256x16xf32>
      %broadcast_in_dim3A = vector.shape_cast %reduce_min3A_75 : vector<256x16xf32> to vector<1x256x16xf32>
      %swap3A_76 = arith.constant 0 : index
      %swap3A_77 = arith.constant 0 : index
      %swap3A_78 = arith.constant 0 : index
      %swap3A_79 = vector.load %arg11[%swap3A_76, %swap3A_77, %swap3A_78] : memref<1x256x16xf32, #tpu.memory_space<vmem>>, vector<1x256x16xf32>
      tpu.vector_store %arg11[%swap3A_76, %swap3A_77, %swap3A_78], %broadcast_in_dim3A {strides = array<i32>} : memref<1x256x16xf32, #tpu.memory_space<vmem>>, vector<1x256x16xf32>,
    } else {
    }
    %get3A_34 = arith.constant 0 : index
    %get3A_35 = arith.constant 0 : index
    %get3A_36 = vector.load %arg4[%get3A_34, %get3A_35] : memref<128x64xf32, #tpu.memory_space<vmem>>, vector<128x64xf32>
    %dot_general3A_37 = arith.constant dense<0.000000e+00> : vector<256x64xf32>
    %dot_general3A_38 = tpu.matmul %get3A_1, %get3A_36, %dot_general3A_37 {dimension_numbers = #tpu.dot_dimension_numbers<[1], [0], [0], [1], [0, 0, 1, 1], [], []>, transpose_lhs_hint = false} : vector<256x128xf32>, vector<128x64xf32>, vector<256x64xf32> -> vector<256x64xf32>
    %get3A_39 = arith.constant 0 : index
    %get3A_40 = arith.constant 0 : index
    %get3A_41 = vector.load %arg5[%get3A_39, %get3A_40] : memref<8x64xf32, #tpu.memory_space<vmem>>, vector<1x64xf32>
    %add3A_42 = vector.broadcast %get3A_41 : vector<1x64xf32> to vector<256x64xf32>
    %add3A_43 = arith.addf %dot_general3A_38, %add3A_42 : vector<256x64xf32>
    %max3A = arith.constant 0.000000e+00 : f32
    %max3A_44 = vector.broadcast %max3A : f32 to vector<256x64xf32>
    %max3A_45 = arith.maximumf %add3A_43, %max3A_44 : vector<256x64xf32>
    %get3A_46 = arith.constant 0 : index
    %get3A_47 = arith.constant 0 : index
    %get3A_48 = vector.load %arg6[%get3A_46, %get3A_47] : memref<64x64xf32, #tpu.memory_space<vmem>>, vector<64x64xf32>
    %dot_general3A_49 = arith.constant dense<0.000000e+00> : vector<256x64xf32>
    %dot_general3A_50 = tpu.matmul %max3A_45, %get3A_48, %dot_general3A_49 {dimension_numbers = #tpu.dot_dimension_numbers<[1], [0], [0], [1], [0, 0, 1, 1], [], []>, transpose_lhs_hint = false} : vector<256x64xf32>, vector<64x64xf32>, vector<256x64xf32> -> vector<256x64xf32>
    %get3A_51 = arith.constant 0 : index
    %get3A_52 = arith.constant 0 : index
    %get3A_53 = vector.load %arg7[%get3A_51, %get3A_52] : memref<8x64xf32, #tpu.memory_space<vmem>>, vector<1x64xf32>
    %add3A_54 = vector.broadcast %get3A_53 : vector<1x64xf32> to vector<256x64xf32>
    %add3A_55 = arith.addf %dot_general3A_50, %add3A_54 : vector<256x64xf32>
    %max3A_56 = arith.constant 0.000000e+00 : f32
    %max3A_57 = vector.broadcast %max3A_56 : f32 to vector<256x64xf32>
    %max3A_58 = arith.maximumf %add3A_55, %max3A_57 : vector<256x64xf32>
    %get3A_59 = arith.constant 0 : index
    %get3A_60 = arith.constant 0 : index
    %get3A_61 = vector.load %arg8[%get3A_59, %get3A_60] : memref<64x128xf32, #tpu.memory_space<vmem>>, vector<64x128xf32>
    %dot_general3A_62 = arith.constant dense<0.000000e+00> : vector<256x128xf32>
    %dot_general3A_63 = tpu.matmul %max3A_58, %get3A_61, %dot_general3A_62 {dimension_numbers = #tpu.dot_dimension_numbers<[1], [0], [0], [1], [0, 0, 1, 1], [], []>, transpose_lhs_hint = false} : vector<256x64xf32>, vector<64x128xf32>, vector<256x128xf32> -> vector<256x128xf32>
    %get3A_64 = arith.constant 0 : index
    %get3A_65 = arith.constant 0 : index
    %get3A_66 = vector.load %arg9[%get3A_64, %get3A_65] : memref<8x128xf32, #tpu.memory_space<vmem>>, vector<1x128xf32>
    %add3A_67 = vector.broadcast %get3A_66 : vector<1x128xf32> to vector<256x128xf32>
    %add3A_68 = arith.addf %dot_general3A_63, %add3A_67 : vector<256x128xf32>
    %swap3A = arith.constant 0 : index
    %swap3A_69 = arith.constant 0 : index
    %swap3A_70 = vector.load %arg12[%swap3A, %swap3A_69] : memref<256x128xf32, #tpu.memory_space<vmem>>, vector<256x128xf32>
    tpu.vector_store %arg12[%swap3A, %swap3A_69], %add3A_68 {strides = array<i32>} : memref<256x128xf32, #tpu.memory_space<vmem>>, vector<256x128xf32>,
    return
  }
  func.func @transform_0(%arg0: i32, %arg1: i32) -> (i32, i32) {
    %c0_i32 = arith.constant 0 : i32
    %c0_i32_0 = arith.constant 0 : i32
    return %arg1, %c0_i32 : i32, i32
  }
  func.func @transform_1(%arg0: i32, %arg1: i32) -> (i32, i32) {
    %c0_i32 = arith.constant 0 : i32
    %c0_i32_0 = arith.constant 0 : i32
    return %c0_i32, %arg0 : i32, i32
  }
  func.func @transform_2(%arg0: i32, %arg1: i32) -> (i32, i32) {
    %c0_i32 = arith.constant 0 : i32
    %c0_i32_0 = arith.constant 0 : i32
    %c0_i32_1 = arith.constant 0 : i32
    return %c0_i32, %c0_i32_0 : i32, i32
  }
  func.func @transform_3(%arg0: i32, %arg1: i32) -> (i32, i32) {
    %c0_i32 = arith.constant 0 : i32
    %c0_i32_0 = arith.constant 0 : i32
    %c0_i32_1 = arith.constant 0 : i32
    return %c0_i32, %c0_i32_0 : i32, i32
  }
  func.func @transform_4(%arg0: i32, %arg1: i32) -> (i32, i32) {
    %c0_i32 = arith.constant 0 : i32
    %c0_i32_0 = arith.constant 0 : i32
    %c0_i32_1 = arith.constant 0 : i32
    return %c0_i32, %c0_i32_0 : i32, i32
  }
  func.func @transform_5(%arg0: i32, %arg1: i32) -> (i32, i32) {
    %c0_i32 = arith.constant 0 : i32
    %c0_i32_0 = arith.constant 0 : i32
    %c0_i32_1 = arith.constant 0 : i32
    return %c0_i32, %c0_i32_0 : i32, i32
  }
  func.func @transform_6(%arg0: i32, %arg1: i32) -> (i32, i32) {
    %c0_i32 = arith.constant 0 : i32
    %c0_i32_0 = arith.constant 0 : i32
    %c0_i32_1 = arith.constant 0 : i32
    return %c0_i32, %c0_i32_0 : i32, i32
  }
  func.func @transform_7(%arg0: i32, %arg1: i32) -> (i32, i32) {
    %c0_i32 = arith.constant 0 : i32
    %c0_i32_0 = arith.constant 0 : i32
    %c0_i32_1 = arith.constant 0 : i32
    return %c0_i32, %c0_i32_0 : i32, i32
  }
  func.func @transform_8(%arg0: i32, %arg1: i32) -> (i32, i32, i32) {
    %c0_i32 = arith.constant 0 : i32
    %c0_i32_0 = arith.constant 0 : i32
    return %arg1, %arg0, %c0_i32 : i32, i32, i32
  }
  func.func @transform_9(%arg0: i32, %arg1: i32) -> (i32, i32, i32) {
    %c0_i32 = arith.constant 0 : i32
    %c0_i32_0 = arith.constant 0 : i32
    return %arg0, %arg1, %c0_i32 : i32, i32, i32
  }
  func.func @transform_10(%arg0: i32, %arg1: i32) -> (i32, i32) {
    %c0_i32 = arith.constant 0 : i32
    %c0_i32_0 = arith.constant 0 : i32
    return %arg1, %c0_i32 : i32, i32
  }
}

</mosaic_0001>

<sc_bundles>
// kernel: kernel.4.cloned.1.call-start
scs
__scs_entry_jumppad:
0x0: {  	(pc) =	sbr.rel $0x88, $3  }
0x1: {  	(tag) =	ssettag $0x0;
	lr =	simm.s32 $0x1  }
0x2: {  	[smem:$0x3F98] =	sst lr;
	_ =	strace $0xD0000000  }
0x3: {  	_ = 	snop  }
0x4: {  	_ = 	snop  }
0x5: {  	_ = 	snop  }
0x6: {  	_ = 	snop  }
0x7: {  	_ = 	snop  }
__scs_overlays_trampoline_lowered:
0x8: {  	[smem:$0x3FA7] =	sst s0  }
0x9: {  	[smem:$0x3FA8] =	sst s1  }
0xa: {  	[smem:$0x3FA9] =	sst s2  }
0xb: {  	[smem:$0x3FAA] =	sst s3  }
0xc: {  	[smem:$0x3FAB] =	sst s4  }
0xd: {  	[smem:$0x3FAC] =	sst s5  }
0xe: {  	[smem:$0x3FAD] =	sst s6  }
0xf: {  	[smem:$0x3FAE] =	sst s7  }
0x10: {  	[smem:$0x3FAF] =	sst s8  }
0x11: {  	[smem:$0x3FB0] =	sst s9;
	s0 =	simm.s32 @!p0 $0x0  }
0x12: {  	s1 =	sld [smem:$0x3F96];
	s0 =	simm.s32 @p0 $0x1  }
0x13: {  	[smem:$0x3FB1] =	sst s0;
	s0 =	simm.s32 @!p1 $0x0  }
0x14: {  	s2 =	sld [smem:$0x3F95];
	s0 =	simm.s32 @p1 $0x1  }
0x15: {  	[smem:$0x3FB2] =	sst s0;
	s0 =	simm.s32 @!p2 $0x0  }
0x16: {  	s3 =	sld [smem:$0x3FDB];
	s0 =	simm.s32 @p2 $0x1  }
0x17: {  	s4 =	simm.s32 $0x1BF5;
	[smem:$0x3FB4] =	sst s0  }
0x18: {  	s0 =	sld [smem:$0x3F97];
	_ =	swait.ge [sflag:s4], $0x0  }
0x19: {  	s7 =	sld [smem:$0x3F98]  }
0x1a: {  	s8 =	sadd.s32 $0xFFFFE003, lr  }
0x1b: {  	s9 =	sadd.s32 $0xFFFFFEF7, lr;
	s5 =	simm.s32 $0xFFFFFFFF;
	p2 =	slt.u32 s8, $0xFFFFF086  }
0x1c: {  	p1 =	slt.u32 s9, $0xF7A;
	s5 =	simm.s32 @!p2 $0x0  }
0x1d: {  	s5 =	simm.s32 @p1 $0x1;
	p0 =	seq.s32 s7, s2  }
0x1e: {  	s7 =	smul.u32 @!p0 $0xF7A, s2;
	p2 =	seq.s32 @!p0 s5, $0x0  }
0x1f: {  	s9 =	smul.u32 $0xF7A, s1;
	s8 =	simm.s32 @!p0 $0x1BF5;
	p2 =	por !p2, p0  }
0x20: {  	[sflag:s8] =	ssyncset.s32 @!p0 $0xFFFFF086;
	s6 =	sadd.s32 @!p0 s3, s7;
	s7 =	simm.s32 @!p0 $0x108  }
0x21: {  	s3 =	sadd.s32 s3, s9;
	s6 =	sadd.s32 @!p0 $0x88, s6;
	s7 =	simm.s32 @p2 $0x1082  }
0x22: {  	[simem:s7], [sflag:s8] =	dma.local @!p0 [hbm:s6], $0xF7A  }
0x23: {  	s9 =	sor.u32 $0xD0000000, s2;
	s6 =	simm.s32 $0x108;
	_ =	swait.ge @!p0 [sflag:s8], $0x0  }
0x24: {  	s3 =	sadd.s32 $0x88, s3;
	s6 =	simm.s32 @!p1 $0x1082;
	[sflag:s4] =	ssyncset.s32 $0xFFFFF086  }
0x25: {  	[simem:s6], [sflag:s4] =	dma.local [hbm:s3], $0xF7A  }
0x26: {  	[smem:$0x3F98] =	sst s1;
	(tag) =	ssettag s2;
	_ =	strace s9  }
0x27: {  	s1 =	sld [smem:$0x3FA8]  }
0x28: {  	s2 =	sld [smem:$0x3FA9]  }
0x29: {  	s4 =	sld [smem:$0x3FAB]  }
0x2a: {  	p0 =	seq.s32 s5, $0x0;
	s5 =	sld [smem:$0x3FAC]  }
0x2b: {  	s6 =	sld [smem:$0x3FAD]  }
0x2c: {  	s7 =	sld [smem:$0x3FAE]  }
0x2d: {  	s3 =	simm.s32 $0x108;
	s8 =	sld [smem:$0x3FAF]  }
0x2e: {  	s3 =	simm.s32 @!p0 $0x1082;
	s9 =	sld [smem:$0x3FB0]  }
0x2f: {  	lr =	sadd.s32 s0, s3;
	s0 =	sld [smem:$0x3FA7]  }
0x30: {  	s3 =	sld [smem:$0x3FAA]  }
0x31: {  	[smem:$0x3FB3] =	sst s10  }
0x32: {  	s10 =	sld [smem:$0x3FB1];
	_ =	sdelay $0x3  }
0x33: {  	p0 =	seq.s32 s10, $0x1;
	s10 =	sld [smem:$0x3FB3];
	_ =	sdelay $0x3  }
0x34: {  	[smem:$0x3FB3] =	sst s10  }
0x35: {  	s10 =	sld [smem:$0x3FB2];
	_ =	sdelay $0x3  }
0x36: {  	p1 =	seq.s32 s10, $0x1;
	s10 =	sld [smem:$0x3FB3];
	_ =	sdelay $0x3  }
0x37: {  	[smem:$0x3FB3] =	sst s10  }
0x38: {  	s10 =	sld [smem:$0x3FB4]  }
0x39: {  	_ = 	snop;
	(pc) =	sbr.ind lr, $3  }
0x3a: {  	_ = 	snop  }
0x3b: {  	_ = 	snop  }
0x3c: {  	p2 =	seq.s32 s10, $0x1;
	s10 =	sld [smem:$0x3FB3]  }
0x3d: {  	_ =	shalt  }
0x3e: {  	_ =	shalt  }
0x3f: {  	_ =	shalt  }
0x40: {  	_ =	shalt  }
0x41: {  	_ =	shalt  }
0x42: {  	_ =	shalt  }
0x43: {  	_ =	shalt  }
0x44: {  	_ =	shalt  }
0x45: {  	_ =	shalt  }
0x46: {  	_ =	shalt  }
0x47: {  	_ =	shalt  }
0x48: {  	_ =	shalt  }
0x49: {  	_ =	shalt  }
0x4a: {  	_ =	shalt  }
0x4b: {  	_ =	shalt  }
0x4c: {  	_ =	shalt  }
0x4d: {  	_ =	shalt  }
0x4e: {  	_ =	shalt  }
0x4f: {  	_ =	shalt  }
0x50: {  	_ =	shalt  }
0x51: {  	_ =	shalt  }
0x52: {  	_ =	shalt  }
0x53: {  	_ =	shalt  }
0x54: {  	_ =	shalt  }
0x55: {  	_ =	shalt  }
0x56: {  	_ =	shalt  }
0x57: {  	_ =	shalt  }
0x58: {  	_ =	shalt  }
0x59: {  	_ =	shalt  }
0x5a: {  	_ =	shalt  }
0x5b: {  	_ =	shalt  }
0x5c: {  	_ =	shalt  }
0x5d: {  	_ =	shalt  }
0x5e: {  	_ =	shalt  }
0x5f: {  	_ =	shalt  }
0x60: {  	_ =	shalt  }
0x61: {  	_ =	shalt  }
0x62: {  	_ =	shalt  }
0x63: {  	_ =	shalt  }
0x64: {  	_ =	shalt  }
0x65: {  	_ =	shalt  }
0x66: {  	_ =	shalt  }
0x67: {  	_ =	shalt  }
0x68: {  	_ =	shalt  }
0x69: {  	_ =	shalt  }
0x6a: {  	_ =	shalt  }
0x6b: {  	_ =	shalt  }
0x6c: {  	_ =	shalt  }
0x6d: {  	_ =	shalt  }
0x6e: {  	_ =	shalt  }
0x6f: {  	_ =	shalt  }
0x70: {  	_ =	shalt  }
0x71: {  	_ =	shalt  }
0x72: {  	_ =	shalt  }
0x73: {  	_ =	shalt  }
0x74: {  	_ =	shalt  }
0x75: {  	_ =	shalt  }
0x76: {  	_ =	shalt  }
0x77: {  	_ =	shalt  }
0x78: {  	_ =	shalt  }
0x79: {  	_ =	shalt  }
0x7a: {  	_ =	shalt  }
0x7b: {  	_ =	shalt  }
0x7c: {  	_ =	shalt  }
0x7d: {  	_ =	shalt  }
0x7e: {  	_ =	shalt  }
0x7f: {  	_ =	shalt  }
0x80: {  	_ =	shalt  }
0x81: {  	_ =	shalt  }
0x82: {  	_ =	shalt  }
0x83: {  	_ =	shalt  }
0x84: {  	_ =	shalt  }
0x85: {  	_ =	shalt  }
0x86: {  	_ =	shalt  }
0x87: {  	_ =	shalt  }
.Lfunc_end0:
.L_simem_size_0:
called_computation_lowered:
.L_overlay_start_0:
0x88: {  	s2 =	sld [smem:$0x3FD9]  }
0x89: {  	s3 =	sld [smem:$0x3FFE];
	_ =	sdelay $0x1  }
0x8a: {  	s1 =	srdreg.scid  }
0x8b: {  	s0 =	sand.u32 $0x1, s1  }
0x8c: {  	s14 =	sshll.u32 s0, $0xA;
	s2 =	sadd.s32 s3, s2  }
0x8d: {  	s2 =	sadd.s32 s2, s14  }
0x8e: {  	[smem:$0x3FBF] =	sst s2  }
0x8f: {  	_ = 	snop  }
0x90: {  	s2 =	sld [smem:$0x3FD0];
	_ =	sdelay $0x2  }
0x91: {  	s15 =	simm.s32 $0xA;
	s4 =	simm.s32 $0x10  }
0x92: {  	[smem:s4], [sflag:s15] =	dma.local [hbm:s2], $0x1  }
0x93: {  	_ =	swait.eq [sflag:s15], $0x1  }
0x94: {  	[sflag:s15] =	ssyncset.done $0x0  }
0x95: {  	[sflag:s15] =	ssyncadd.s32 $0xFFFFFFFF  }
0x96: {  	s16 =	sld [smem:$0x11];
	(tm) =	ssettm $0x1  }
0x97: {  	s17 =	sld [smem:$0x3FFB];
	_ =	sdelay $0x3  }
0x98: {  	_ =	strace s17  }
0x99: {  	s3 =	sld [smem:$0x3FFC];
	_ =	sdelay $0x3  }
0x9a: {  	_ =	strace s3  }
0x9b: {  	s3 =	sld [smem:$0x3FFD];
	_ =	sdelay $0x3  }
0x9c: {  	_ =	strace s3  }
0x9d: {  	_ =	strace $0x8FFFFFFF  }
0x9e: {  	s18 =	sld [smem:$0x3FDB];
	_ =	sdelay $0x1  }
0x9f: {  	s19 =	simm.s32 $_scs_section_size  }
0xa0: {  	s5 =	simm.s32 $_size__tile_overlayer_lowered;
	s6 =	simm.s32 $_tile_overlayer_lowered  }
0xa1: {  	s22 =	simm.s32 $0x1BFF;
	s21 =	sshll.u32 s6, $0x1;
	s3 =	sadd.s32 s19, s18  }
0xa2: {  	s7 =	simm.s32 $0x0;
	s20 =	sshll.u32 s5, $0x1;
	s5 =	sadd.s32 s21, s3  }
0xa3: {  	[timem:s7], [sflag:s22] =	dma.local [hbm:s5], s20  }
0xa4: {  	_ =	swait.ge [sflag:s22], s20  }
0xa5: {  	s4 =	ssub.s32 $0x0, s20;
	[sflag:s22] =	ssyncset.done $0x0  }
0xa6: {  	[sflag:s22] =	ssyncadd.s32 s4;
	_ =	sdelay $0x1  }
0xa7: {  	s23 =	simm.s32 $0x1B8B  }
0xa8: {  	_ =	swait.ge [sflag:s23], $0x1  }
0xa9: {  	[sflag:s23] =	ssyncset.done $0x0  }
0xaa: {  	s25 =	simm.s32 $0x1B8E;
	s24 =	sld [smem:$0x3FFE];
	[sflag:s23] =	ssyncadd.s32 $0xFFFFFFFF  }
0xab: {  	s26 =	simm.s32 $execute0_lowered;
	[smem:$0x3FD2] =	sst s25  }
0xac: {  	s5 =	sshll.u32 s26, $0x1;
	_ =	strace $0x80000046;
	[dreg:$0x1] =	wrdreg $0xFFFFFFFF  }
0xad: {  	s28 =	simm.s32 $_size_execute0_lowered;
	s3 =	sadd.s32 s3, s5;
	[dreg:$0x0] =	wrdreg $0x0  }
0xae: {  	s5 =	sshll.u32 s28, $0x1;
	[dreg:$0x2] =	wrdreg s3  }
0xaf: {  	[dreg:$0x3] =	wrdreg s5  }
0xb0: {  	[dreg:$0x4] =	wrdreg $0xC0  }
0xb1: {  	_ =	task [dreg:s7], $0x5FFFF  }
0xb2: {  	[dreg:$0x1] =	wrdreg $0xFFFFFFFF  }
0xb3: {  	[dreg:$0x0] =	wrdreg $0x60  }
0xb4: {  	[dreg:$0x2] =	wrdreg s24  }
0xb5: {  	[dreg:$0x3] =	wrdreg s16  }
0xb6: {  	[dreg:$0x4] =	wrdreg $0x9  }
0xb7: {  	_ =	task.clear_ibuf [dreg:s7], $0x5FFFF;
	_ =	strace $0x90000046  }
0xb8: {  	s29 =	simm.s32 $0x9;
	_ =	strace $0x80000048  }
0xb9: {  	_ =	swait.ge [sflag:s29], $0x1  }
0xba: {  	[sflag:s29] =	ssyncadd.s32 $0xFFFFFFFF  }
0xbb: {  	_ =	strace $0x90000048  }
0xbc: {  	_ =	sfence  }
0xbd: {  	s30 =	sld [smem:$0x0];
	_ =	sdelay $0x2  }
0xbe: {  	s31 =	sshll.u32 s1, $0xD;
	s1 =	sshrl.u32 s1, $0x2  }
0xbf: {  	s3 =	sand.u32 $0x4000, s31;
	s1 =	sadd.s32 s1, s30  }
0xc0: {  	s0 =	sor.u32 s3, s0;
	s1 =	sshll.u32 s1, $0x11  }
0xc1: {  	s0 =	sor.u32 s1, s0  }
0xc2: {  	s0 =	sadd.s32 $0x8F2B, s0  }
0xc3: {  	[sflag:s0] =	ssyncadd.remote.s32 $0x1  }
0xc4: {  	_ =	sfence.sel $0xFFFF  }
0xc5: {  	[dreg:$0x0] =	wrdreg $0xFFFFFFFF;
	(pc) =	sbr.abs _section_cstart, $3  }
0xc6: {  	[dreg:$0x1] =	wrdreg $0xFFFFFFFF  }
0xc7: {  	_ =	task.clear_ibuf [dreg:s7], $0x2FFFF;
	_ =	strace $0x9FFFFFFF  }
0xc8: {  	(tm) =	ssettm $0x7FFFFFFF  }
0xc9: {  	_ =	shalt  }
tec
execute0_lowered:
.L_overlay_start_1:
0x0: {  	(tag) =	ssettag $0x1  }
0x1: {  	s0 =	rddreg [dreg:$0x0]  }
0x2: {  	s1 =	rddreg [dreg:$0x1]  }
0x3: {  	s2 =	simm.s32 $0x0;
	s3 =	srdreg.scid;
	s11 =	stileid.u32  }
0x4: {  	s14 =	simm.s32 $0x2;
	s15 =	simm.s32 $0x20;
	s16 =	simm.s32 $0x1  }
0x5: {  	s17 =	simm.s32 $0x380;
	s18 =	simm.s32 $0x600;
	s19 =	simm.s32 $0x10A80  }
0x6: {  	s20 =	simm.s32 $0x10F00;
	s21 =	simm.s32 $0x10F80;
	s22 =	simm.s32 $0x10600  }
0x7: {  	s23 =	simm.s32 $0x11080;
	s24 =	simm.s32 $0x11000;
	s28 =	simm.s32 $0x13080  }
0x8: {  	[smem:$0x7FF] =	sst s2;
	s8 =	sand.u32 $0x1, s3;
	s3 =	sadd.s32 $0x310C00, s0  }
0x9: {  	s6 =	sshll.u32 s11, $0x6;
	s4 =	sadd.s32 $0x1C00, s0;
	s5 =	sadd.s32 $0xF50C00, s0  }
0xa: {  	s11 =	smul.u32 $0xC400, s11;
	_ =	strace $0x80000047;
	s7 =	sshll.u32 s8, $0x5  }
0xb: {  	s10 =	ssub.s32 $0x2, s8;
	s8 =	smul.u32 $0x6200, s8;
	s6 =	sor.u32 s7, s6  }
0xc: {  	s7 =	sadd.s32 $0xC5C00, s0;
	s25 =	sshrl.u32 s10, $0x1;
	s9 =	sshll.u32 s6, $0x4  }
.Ltmp0:
0xd: {  	s26 =	sshrl.u32 s6, $0x3;
	s31 =	sadd.s32 s8, s11;
	(pc) =	sbr.rel .LBB2_1-.Ltmp0, $4  }
0xe: {  	v0 =	vimm.s32 $0x0;
	v1 =	vlaneseq.u32;
	s0 =	sadd.s32 s9, s0;
	s29 =	sadd.s32 s1, s26;
	[dreg:$0x6] =	wrdreg s31  }
0xf: {  	v9 =	vimm.f32 $1.000000020e+30;
	vm0 =	vmmov $0x3f;
	v2 =	vor.u32 $0x10, v1;
	s9 =	ssub.s32 s10, s25;
	s0 =	sadd.s32 $0x1DC00, s0;
	[dreg:$0x4] =	wrdreg s29  }
0x10: {  	v3 =	vor.u32 $0x20, v1;
	v4 =	vor.u32 $0x30, v1;
	v5 =	vor.u32 $0x40, v1;
	s25 =	simm.s32 $0x13100;
	s30 =	smax.u32 s9, $0x1;
	[dreg:$0x3] =	wrdreg s0  }
0x11: {  	v6 =	vor.u32 $0x50, v1;
	v7 =	vor.u32 $0x60, v1;
	v8 =	vor.u32 $0x70, v1;
	s26 =	simm.s32 $0x12080;
	s1 =	simm.s32 $0x0;
	[dreg:$0x5] =	wrdreg s30  }
.LBB2_28:
0x12: {  	s0 =	rddreg [dreg:$0x3]  }
0x13: {  	[hbm4b:s0+s2] =	stream.linear.scatter [tilespmem:s26], [sflag:$0x2], $0x1000, $0x38;
	[tilespmem:$0x13180] =	vst v63  }
0x14: {  	_ =	swait.ge [sflag:s14], $0x1000  }
0x15: {  	[sflag:s14] =	ssyncset.done $0x0  }
0x16: {  	s30 =	rddreg [dreg:$0x4];
	[sflag:s14] =	ssyncadd.s32 $0xFFFFF000  }
0x17: {  	[hbm4b:s30+s2] =	stream.linear.scatter [tilespmem:s28], [sflag:$0x2], $0x20, $0x38;
	[tilespmem:$0x13180] =	vst v63  }
0x18: {  	_ =	swait.ge [sflag:s14], $0x20  }
0x19: {  	s1 =	rddreg [dreg:$0x7]  }
0x1a: {  	s31 =	rddreg [dreg:$0x5];
	s1 =	sadd.s32 $0x1, s1  }
0x1b: {  	p0 =	sne.s32 s1, s31  }
.Ltmp1:
0x1c: {  	_ = 	snop;
	(pc) =	sbr.rel @!p0 .LBB2_29-.Ltmp1, $3  }
0x1d: {  	_ =	sdelay $0x1  }
0x1e: {  	[sflag:s14] =	ssyncset.done $0x0  }
0x1f: {  	[sflag:s14] =	ssyncadd.s32 $0xFFFFFFE0  }
.LBB2_1:
0x20: {  	[dreg:$0x7] =	wrdreg s1  }
0x21: {  	s30 =	rddreg [dreg:$0x6];
	s31 =	simm.s32 $0x0  }
.LBB2_2:
0x22: {  	s9 =	sor.u32 s6, s31  }
0x23: {  	s0 =	sshrl.u32 s9, $0x3  }
0x24: {  	s1 =	sshll.u32 s31, $0x7;
	s8 =	smul.u32 $0x1C00, s0  }
0x25: {  	s1 =	sand.u32 $0x380, s1  }
0x26: {  	s8 =	sor.u32 s1, s8  }
0x27: {  	s10 =	simm.s32 $0x0;
	s8 =	sshrl.u32 s8, $0x3  }
0x28: {  	s11 =	simm.s32 $0x80;
	s12 =	simm.s32 $0x400;
	s8 =	sadd.s32 s4, s8  }
0x29: {  	[tilespmem:s10], [sflag:$0x2] =	stream.strided.gather [hbm4b:s8+s11], $0x380, s12, s11, $0x38;
	[tilespmem:$0x13180] =	vst v63  }
0x2a: {  	_ =	swait.ge [sflag:s14], $0x380  }
0x2b: {  	[sflag:s14] =	ssyncset.done $0x0  }
0x2c: {  	s29 =	simm.s32 $0x0;
	[sflag:s14] =	ssyncadd.s32 $0xFFFFFC80  }
0x2d: {  	v12 =	vld [tilespmem:s29+$0x0];
	_ =	sdelay $0x3  }
0x2e: {  	v10 =	vimm.f32 $1.000000020e+30;
	v11 =	vimm.f32 $1.000000020e+30;
	s8 =	simm.s32 $0x40  }
.LBB2_3:
0x2f: {  	s10 =	sshra.s32 s8, $0x2;
	p0 =	sne.s32 s8, $0xC00;
	s8 =	sadd.s32 $0x40, s8;
	v13 =	vmax.f32 v10, v12;
	v14 =	vmov v12  }
.Ltmp2:
0x30: {  	v12 =	vld [tilespmem:s10+$0x0];
	v11 =	vmin.f32 v11, v13;
	(pc) =	sbr.rel @p0 .LBB2_3-.Ltmp2, $2  }
0x31: {  	_ =	sdelay $0x2  }
0x32: {  	v10 =	vmin.f32 v10, v14  }
0x33: {  	v10 =	vmax.f32 v10, v12  }
0x34: {  	v10 =	vmin.f32 v11, v10  }
0x35: {  	(xrf0) =	vmax.scan.msk.f32 $0xffff, v10;
	_ =	sdelay $0x2  }
0x36: {  	s8 =	simm.s32 $0x0  }
0x37: {  	v11 =	vld [tilespmem:s8+$0x0];
	_ =	sdelay $0x1  }
0x38: {  	v10, _, _ =	vpop (xrf0)  }
0x39: {  	v10 =	vbroadcast v10, $0xF;
	_ =	sdelay $0x1  }
0x3a: {  	vm1 =	vle.f32 v11, v10  }
0x3b: {  	v11 =	vsel vm1, $0x1, v0  }
0x3c: {  	(xrf0) =	vadd.scan.msk.s32 $0xffff, v11;
	_ =	sdelay $0x5  }
0x3d: {  	v11, _, _ =	vpop (xrf0)  }
0x3e: {  	(v2sf) =	vpush v11, $0xF  }
0x3f: {  	v63 =	vor.u32 s30, v1;
	s10 =	smul.u32 $0x310, s9;
	s8 =	simm.s32 $0x0  }
0x40: {  	s12 =	simm.s32 $0x10;
	s9 =	simm.s32 $0x80;
	s11 =	smov.u32 s30;
	[tilespmem:s8+$0x380] =	vst.msk vm1, v63  }
.LBB2_5:
0x41: {  	p0 =	sne.s32 s9, $0xC00;
	v11 =	vld [tilespmem:s12+$0x0];
	_ =	sdelay $0x4  }
0x42: {  	vm1 =	vle.f32 v11, v10  }
0x43: {  	v11 =	vsel vm1, $0x1, v0  }
0x44: {  	(xrf0) =	vadd.scan.msk.s32 $0xffff, v11;
	_ =	sdelay $0x4  }
.Ltmp3:
0x45: {  	s12 =	spop (v2sf);
	(pc) =	sbr.rel @p0 .LBB2_5-.Ltmp3, $4  }
0x46: {  	v11, _, _ =	vpop (xrf0);
	s8 =	sadd.s32 s8, s12  }
0x47: {  	s11 =	sadd.s32 $0x10, s11;
	(v2sf) =	vpush v11, $0xF;
	p1 =	slt.s32 s8, $0x1F0  }
0x48: {  	v11 =	vor.u32 s11, v1;
	s8 =	simm.s32 @!p1 $0x1F0  }
0x49: {  	s12 =	sshra.s32 s9, $0x2;
	s9 =	sadd.s32 $0x40, s9;
	[tilespmem:s8+$0x380] =	vst.msk vm1, v11  }
0x4a: {  	v11 =	vld [tilespmem:s12+$0x0];
	_ =	sdelay $0x4  }
0x4b: {  	vm1 =	vle.f32 v11, v10  }
0x4c: {  	v11 =	vsel vm1, $0x1, v0  }
0x4d: {  	(xrf0) =	vadd.scan.msk.s32 $0xffff, v11;
	_ =	sdelay $0x5  }
0x4e: {  	v11, _, _ =	vpop (xrf0)  }
0x4f: {  	(v2sf) =	vpush v11, $0xF;
	_ =	sdelay $0xb  }
0x50: {  	s9 =	spop (v2sf)  }
0x51: {  	s12 =	sadd.s32 s8, s9  }
0x52: {  	p0 =	slt.s32 s12, $0x1F0  }
0x53: {  	s12 =	simm.s32 @!p0 $0x1F0;
	s13 =	spop (v2sf)  }
0x54: {  	s8 =	sadd.s32 s12, s13  }
0x55: {  	p0 =	slt.s32 s8, $0x1F0;
	s9 =	smov.u32 s8  }
0x56: {  	s9 =	simm.s32 @!p0 $0x1F0  }
0x57: {  	s11 =	sadd.s32 $0x10, s11;
	s13 =	sadd.s32 $0x1F, s9  }
0x58: {  	v11 =	vor.u32 s11, v1;
	s11 =	sshra.s32 s13, $0x5  }
0x59: {  	p0 =	slt.s32 s11, $0x1  }
.Ltmp4:
0x5a: {  	_ = 	snop;
	(pc) =	sbr.rel @p0 .LBB2_12-.Ltmp4, $4  }
0x5b: {  	s29 =	sadd.s32 $0x30F, s10  }
0x5c: {  	[tilespmem:s12+$0x380] =	vst.msk vm1, v11;
	v11 =	vmov s29  }
0x5d: {  	[tilespmem:s9+$0x380] =	vst v11  }
0x5e: {  	[tilespmem:s9+$0x390] =	vst v11  }
0x5f: {  	p0 =	seq.s32 s11, $0x1  }
.Ltmp5:
0x60: {  	_ = 	snop;
	(pc) =	sbr.rel @p0 .LBB2_9-.Ltmp5, $3  }
0x61: {  	_ =	sdelay $0x1  }
0x62: {  	s12 =	simm.s32 $0x380;
	s29 =	simm.s32 $0x600;
	s13 =	sadd.s32 $0xFFFFFFFF, s11  }
0x63: {  	[tilespmem:s29], [sflag:$0x1] =	stream.indirect.gather [hbm4b:s3+s15], $0x80, s12, s15, $0xb8;
	[tilespmem:$0x13180] =	vst v63  }
.LBB2_8:
0x64: {  	p1 =	seq.s32 s13, $0x1  }
.Ltmp6:
0x65: {  	_ = 	snop;
	(pc) =	sbr.rel @!p1 .LBB2_8-.Ltmp6, $4  }
0x66: {  	_ = 	snop  }
0x67: {  	s12 =	sadd.s32 $0x20, s12;
	s29 =	sadd.s32 $0x1000, s29  }
0x68: {  	s13 =	sadd.s32 $0xFFFFFFFF, s13  }
0x69: {  	[tilespmem:s29], [sflag:$0x1] =	stream.indirect.gather [hbm4b:s3+s15], $0x80, s12, s15, $0xb8;
	[tilespmem:$0x13180] =	vst v63  }
.LBB2_9:
.Ltmp7:
0x6a: {  	(pc) =	sbr.rel @p0 .LBB2_11-.Ltmp7, $3  }
0x6b: {  	_ =	sdelay $0x1  }
0x6c: {  	_ =	swait.ge [sflag:s16], $0x1000  }
0x6d: {  	s11 =	sadd.s32 $0xFFFFFFFF, s11;
	[sflag:s16] =	ssyncset.done $0x0  }
.LBB2_10:
0x6e: {  	p0 =	seq.s32 s11, $0x1;
	s11 =	sadd.s32 $0xFFFFFFFF, s11;
	[sflag:s16] =	ssyncadd.s32 $0xFFFFF000  }
.Ltmp8:
0x6f: {  	(pc) =	sbr.rel @!p0 .LBB2_10-.Ltmp8, $3  }
0x70: {  	_ =	sdelay $0x1  }
0x71: {  	_ =	swait.ge [sflag:s16], $0x1000  }
0x72: {  	[sflag:s16] =	ssyncset.done $0x0  }
.LBB2_11:
0x73: {  	[sflag:s16] =	ssyncadd.s32 $0xFFFFF000  }
.LBB2_12:
0x74: {  	p0 =	slt.s32 s8, $0x1  }
.Ltmp9:
0x75: {  	_ = 	snop;
	(pc) =	sbr.rel @p0 .LBB2_18-.Ltmp9, $2  }
0x76: {  	_ =	sdelay $0x2  }
0x77: {  	s8 =	simm.s32 $0x0;
	s11 =	simm.s32 $0x0  }
0x78: {  	v12 =	vmov s10;
	s10 =	simm.s32 $0x0  }
0x79: {  	v13 =	vmov s10  }
0x7a: {  	v11 =	vshll.u32 v13, $0x7  }
0x7b: {  	v14 =	vor.u32 v1, v11;
	_ =	sdelay $0x4  }
0x7c: {  	p1 =	sne.s32 s9, $0x1;
	v14 =	vld.idx.msk [tilespmem:v14+s18+$0x0], $0xffff  }
.Ltmp10:
0x7d: {  	_ = 	snop;
	(pc) =	sbr.rel @!p1 .LBB2_14-.Ltmp10, $2  }
0x7e: {  	_ =	sdelay $0x2  }
0x7f: {  	s11 =	simm.s32 $0x1;
	p0 =	por $0x0, $0x0;
	v15 =	vor.u32 v2, v11;
	v13 =	vld.idx.msk [tilespmem:v13+s17+$0x0], $0xffff;
	vm1 =	vle.f32 v14, v10  }
0x80: {  	_ =	sdelay $0x3  }
0x81: {  	v16 =	vsel vm1, $0x1, v0;
	v13 =	vsub.s32 v13, v12  }
0x82: {  	(xrf0) =	vadd.scan.msk.s32 $0xffff, v16;
	v13 =	vshll.u32 v13, $0x7  }
0x83: {  	[tilespmem:s10+$0x10600] =	vst.msk vm1, v14;
	v16 =	vor.u32 v1, v13  }
0x84: {  	[tilespmem:s10+$0x10A80] =	vst.msk vm1, v16  }
0x85: {  	v14 =	vld.idx.msk [tilespmem:v15+s18+$0x0], $0xffff;
	_ =	sdelay $0x2  }
0x86: {  	v15, _, _ =	vpop (xrf0)  }
0x87: {  	(v2sf) =	vpush v15, $0xF  }
0x88: {  	vm1 =	vle.f32 v14, v10  }
0x89: {  	v15 =	vsel vm1, $0x1, v0  }
0x8a: {  	(xrf0) =	vadd.scan.msk.s32 $0xffff, v15;
	_ =	sdelay $0x5  }
0x8b: {  	v15, _, _ =	vpop (xrf0)  }
0x8c: {  	(v2sf) =	vpush v15, $0xF;
	_ =	sdelay $0x4  }
0x8d: {  	s12 =	spop (v2sf)  }
0x8e: {  	v15 =	vor.u32 v3, v11;
	s12 =	sadd.s32 $0x0, s12  }
0x8f: {  	p0 =	slt.s32 s12, $0x3F0  }
0x90: {  	s12 =	simm.s32 @!p0 $0x3F0  }
0x91: {  	v16 =	vor.u32 v2, v13;
	[tilespmem:s12+$0x10600] =	vst.msk vm1, v14  }
0x92: {  	[tilespmem:s12+$0x10A80] =	vst.msk vm1, v16  }
0x93: {  	v14 =	vld.idx.msk [tilespmem:v15+s18+$0x0], $0xffff;
	_ =	sdelay $0x3  }
0x94: {  	s13 =	spop (v2sf)  }
0x95: {  	v15 =	vor.u32 v4, v11;
	vm1 =	vle.f32 v14, v10;
	s12 =	sadd.s32 s12, s13  }
0x96: {  	v16 =	vsel vm1, $0x1, v0;
	p0 =	slt.s32 s12, $0x3F0  }
0x97: {  	(xrf0) =	vadd.scan.msk.s32 $0xffff, v16;
	s12 =	simm.s32 @!p0 $0x3F0  }
0x98: {  	v16 =	vor.u32 v3, v13;
	[tilespmem:s12+$0x10600] =	vst.msk vm1, v14  }
0x99: {  	[tilespmem:s12+$0x10A80] =	vst.msk vm1, v16  }
0x9a: {  	v14 =	vld.idx.msk [tilespmem:v15+s18+$0x0], $0xffff;
	_ =	sdelay $0x2  }
0x9b: {  	v15, _, _ =	vpop (xrf0)  }
0x9c: {  	(v2sf) =	vpush v15, $0xF  }
0x9d: {  	vm1 =	vle.f32 v14, v10  }
0x9e: {  	v15 =	vsel vm1, $0x1, v0  }
0x9f: {  	(xrf0) =	vadd.scan.msk.s32 $0xffff, v15;
	_ =	sdelay $0x5  }
0xa0: {  	v15, _, _ =	vpop (xrf0)  }
0xa1: {  	(v2sf) =	vpush v15, $0xF;
	_ =	sdelay $0x4  }
0xa2: {  	s29 =	spop (v2sf)  }
0xa3: {  	v15 =	vor.u32 v5, v11;
	s12 =	sadd.s32 s12, s29  }
0xa4: {  	p0 =	slt.s32 s12, $0x3F0  }
0xa5: {  	s12 =	simm.s32 @!p0 $0x3F0  }
0xa6: {  	v16 =	vor.u32 v4, v13;
	[tilespmem:s12+$0x10600] =	vst.msk vm1, v14  }
0xa7: {  	[tilespmem:s12+$0x10A80] =	vst.msk vm1, v16  }
0xa8: {  	v14 =	vld.idx.msk [tilespmem:v15+s18+$0x0], $0xffff;
	_ =	sdelay $0x3  }
0xa9: {  	s29 =	spop (v2sf)  }
0xaa: {  	v15 =	vor.u32 v6, v11;
	vm1 =	vle.f32 v14, v10;
	s12 =	sadd.s32 s12, s29  }
0xab: {  	v16 =	vsel vm1, $0x1, v0;
	p0 =	slt.s32 s12, $0x3F0  }
0xac: {  	(xrf0) =	vadd.scan.msk.s32 $0xffff, v16;
	s12 =	simm.s32 @!p0 $0x3F0  }
0xad: {  	v16 =	vor.u32 v5, v13;
	[tilespmem:s12+$0x10600] =	vst.msk vm1, v14  }
0xae: {  	[tilespmem:s12+$0x10A80] =	vst.msk vm1, v16  }
0xaf: {  	v14 =	vld.idx.msk [tilespmem:v15+s18+$0x0], $0xffff;
	_ =	sdelay $0x2  }
0xb0: {  	v15, _, _ =	vpop (xrf0)  }
0xb1: {  	(v2sf) =	vpush v15, $0xF  }
0xb2: {  	vm1 =	vle.f32 v14, v10  }
0xb3: {  	v15 =	vsel vm1, $0x1, v0  }
0xb4: {  	(xrf0) =	vadd.scan.msk.s32 $0xffff, v15;
	_ =	sdelay $0x5  }
0xb5: {  	v15, _, _ =	vpop (xrf0)  }
0xb6: {  	(v2sf) =	vpush v15, $0xF;
	_ =	sdelay $0x4  }
0xb7: {  	s29 =	spop (v2sf)  }
0xb8: {  	v15 =	vor.u32 v7, v11;
	s12 =	sadd.s32 s12, s29  }
0xb9: {  	p0 =	slt.s32 s12, $0x3F0  }
0xba: {  	s12 =	simm.s32 @!p0 $0x3F0  }
0xbb: {  	v16 =	vor.u32 v6, v13;
	[tilespmem:s12+$0x10600] =	vst.msk vm1, v14  }
0xbc: {  	[tilespmem:s12+$0x10A80] =	vst.msk vm1, v16  }
0xbd: {  	v14 =	vld.idx.msk [tilespmem:v15+s18+$0x0], $0xffff;
	_ =	sdelay $0x3  }
0xbe: {  	s29 =	spop (v2sf)  }
0xbf: {  	v11 =	vor.u32 v8, v11;
	vm1 =	vle.f32 v14, v10;
	s12 =	sadd.s32 s12, s29  }
0xc0: {  	v15 =	vsel vm1, $0x1, v0;
	p0 =	slt.s32 s12, $0x3F0  }
0xc1: {  	(xrf0) =	vadd.scan.msk.s32 $0xffff, v15;
	s12 =	simm.s32 @!p0 $0x3F0  }
0xc2: {  	v15 =	vor.u32 v7, v13;
	[tilespmem:s12+$0x10600] =	vst.msk vm1, v14  }
0xc3: {  	[tilespmem:s12+$0x10A80] =	vst.msk vm1, v15  }
0xc4: {  	v14 =	vld.idx.msk [tilespmem:v11+s18+$0x0], $0xffff;
	_ =	sdelay $0x2  }
0xc5: {  	v11, _, _ =	vpop (xrf0)  }
0xc6: {  	(v2sf) =	vpush v11, $0xF  }
0xc7: {  	vm1 =	vle.f32 v14, v10  }
0xc8: {  	v11 =	vsel vm1, $0x1, v0  }
0xc9: {  	(xrf0) =	vadd.scan.msk.s32 $0xffff, v11;
	_ =	sdelay $0x5  }
0xca: {  	v11, _, _ =	vpop (xrf0)  }
0xcb: {  	(v2sf) =	vpush v11, $0xF;
	_ =	sdelay $0x3  }
0xcc: {  	v15 =	vmov s11  }
0xcd: {  	v11 =	vshll.u32 v15, $0x7;
	s13 =	spop (v2sf)  }
0xce: {  	v16 =	vor.u32 v1, v11;
	s12 =	sadd.s32 s12, s13  }
0xcf: {  	p0 =	slt.s32 s12, $0x3F0  }
0xd0: {  	s12 =	simm.s32 @!p0 $0x3F0  }
0xd1: {  	v13 =	vor.u32 v8, v13;
	[tilespmem:s12+$0x10600] =	vst.msk vm1, v14  }
0xd2: {  	[tilespmem:s12+$0x10A80] =	vst.msk vm1, v13  }
0xd3: {  	p1 =	sne.s32 s9, $0x2;
	v14 =	vld.idx.msk [tilespmem:v16+s18+$0x0], $0xffff  }
.Ltmp11:
0xd4: {  	v13 =	vld.idx.msk [tilespmem:v15+s17+$0x0], $0xffff;
	(pc) =	sbr.rel @!p1 .LBB2_17-.Ltmp11, $3  }
0xd5: {  	_ =	sdelay $0x1  }
0xd6: {  	s29 =	spop (v2sf)  }
0xd7: {  	s11 =	simm.s32 $0x2;
	p0 =	por $0x1, $0x1;
	v15 =	vor.u32 v2, v11;
	vm1 =	vle.f32 v14, v10;
	s12 =	sadd.s32 s12, s29  }
.LBB2_16:
0xd8: {  	v13 =	vsub.s32 v13, v12;
	v16 =	vsel vm1, $0x1, v0;
	p2 =	slt.s32 s12, $0x3F0;
	s29 =	smov.u32 s11;
	s11 =	sadd.s32 $0x1, s11  }
0xd9: {  	p1 =	sne.s32 s9, s11;
	v13 =	vshll.u32 v13, $0x7;
	(xrf0) =	vadd.scan.msk.s32 $0xffff, v16;
	s12 =	simm.s32 @!p2 $0x3F0  }
0xda: {  	v16 =	vor.u32 v1, v13;
	[tilespmem:s12+$0x10600] =	vst.msk vm1, v14  }
0xdb: {  	[tilespmem:s12+$0x10A80] =	vst.msk vm1, v16  }
0xdc: {  	v14 =	vld.idx.msk [tilespmem:v15+s18+$0x0], $0xffff;
	_ =	sdelay $0x2  }
0xdd: {  	v15, _, _ =	vpop (xrf0)  }
0xde: {  	(v2sf) =	vpush v15, $0xF;
	_ =	sdelay $0x1  }
0xdf: {  	vm1 =	vle.f32 v14, v10  }
0xe0: {  	v15 =	vsel vm1, $0x1, v0  }
0xe1: {  	(xrf0) =	vadd.scan.msk.s32 $0xffff, v15;
	_ =	sdelay $0x5  }
0xe2: {  	v15, _, _ =	vpop (xrf0)  }
0xe3: {  	(v2sf) =	vpush v15, $0xF;
	_ =	sdelay $0x3  }
0xe4: {  	s13 =	spop (v2sf)  }
0xe5: {  	v15 =	vor.u32 v3, v11;
	s12 =	sadd.s32 s12, s13  }
0xe6: {  	p2 =	slt.s32 s12, $0x3F0  }
0xe7: {  	s12 =	simm.s32 @!p2 $0x3F0  }
0xe8: {  	v16 =	vor.u32 v2, v13;
	[tilespmem:s12+$0x10600] =	vst.msk vm1, v14  }
0xe9: {  	[tilespmem:s12+$0x10A80] =	vst.msk vm1, v16  }
0xea: {  	v14 =	vld.idx.msk [tilespmem:v15+s18+$0x0], $0xffff;
	_ =	sdelay $0x4  }
0xeb: {  	v15 =	vor.u32 v4, v11;
	s13 =	spop (v2sf)  }
0xec: {  	vm1 =	vle.f32 v14, v10;
	s12 =	sadd.s32 s12, s13  }
0xed: {  	v16 =	vsel vm1, $0x1, v0;
	p2 =	slt.s32 s12, $0x3F0  }
0xee: {  	v17 =	vor.u32 v3, v13;
	s12 =	simm.s32 @!p2 $0x3F0;
	(xrf0) =	vadd.scan.msk.s32 $0xffff, v16  }
0xef: {  	[tilespmem:s12+$0x10600] =	vst.msk vm1, v14  }
0xf0: {  	[tilespmem:s12+$0x10A80] =	vst.msk vm1, v17  }
0xf1: {  	v14 =	vld.idx.msk [tilespmem:v15+s18+$0x0], $0xffff;
	_ =	sdelay $0x2  }
0xf2: {  	v15, _, _ =	vpop (xrf0)  }
0xf3: {  	(v2sf) =	vpush v15, $0xF;
	_ =	sdelay $0x1  }
0xf4: {  	vm1 =	vle.f32 v14, v10  }
0xf5: {  	v15 =	vsel vm1, $0x1, v0  }
0xf6: {  	(xrf0) =	vadd.scan.msk.s32 $0xffff, v15;
	_ =	sdelay $0x5  }
0xf7: {  	v15, _, _ =	vpop (xrf0)  }
0xf8: {  	(v2sf) =	vpush v15, $0xF;
	_ =	sdelay $0x3  }
0xf9: {  	s13 =	spop (v2sf)  }
0xfa: {  	v15 =	vor.u32 v5, v11;
	s12 =	sadd.s32 s12, s13  }
0xfb: {  	p2 =	slt.s32 s12, $0x3F0  }
0xfc: {  	s12 =	simm.s32 @!p2 $0x3F0  }
0xfd: {  	v16 =	vor.u32 v4, v13;
	[tilespmem:s12+$0x10600] =	vst.msk vm1, v14  }
0xfe: {  	[tilespmem:s12+$0x10A80] =	vst.msk vm1, v16  }
0xff: {  	v14 =	vld.idx.msk [tilespmem:v15+s18+$0x0], $0xffff;
	_ =	sdelay $0x4  }
0x100: {  	v15 =	vor.u32 v6, v11;
	s13 =	spop (v2sf)  }
0x101: {  	vm1 =	vle.f32 v14, v10;
	s12 =	sadd.s32 s12, s13  }
0x102: {  	v16 =	vsel vm1, $0x1, v0;
	p2 =	slt.s32 s12, $0x3F0  }
0x103: {  	v17 =	vor.u32 v5, v13;
	s12 =	simm.s32 @!p2 $0x3F0;
	(xrf0) =	vadd.scan.msk.s32 $0xffff, v16  }
0x104: {  	[tilespmem:s12+$0x10600] =	vst.msk vm1, v14  }
0x105: {  	[tilespmem:s12+$0x10A80] =	vst.msk vm1, v17  }
0x106: {  	v14 =	vld.idx.msk [tilespmem:v15+s18+$0x0], $0xffff;
	_ =	sdelay $0x2  }
0x107: {  	v15, _, _ =	vpop (xrf0)  }
0x108: {  	(v2sf) =	vpush v15, $0xF;
	_ =	sdelay $0x1  }
0x109: {  	vm1 =	vle.f32 v14, v10  }
0x10a: {  	v15 =	vsel vm1, $0x1, v0  }
0x10b: {  	(xrf0) =	vadd.scan.msk.s32 $0xffff, v15;
	_ =	sdelay $0x5  }
0x10c: {  	v15, _, _ =	vpop (xrf0)  }
0x10d: {  	(v2sf) =	vpush v15, $0xF;
	_ =	sdelay $0x3  }
0x10e: {  	s13 =	spop (v2sf)  }
0x10f: {  	v15 =	vor.u32 v7, v11;
	s12 =	sadd.s32 s12, s13  }
0x110: {  	p2 =	slt.s32 s12, $0x3F0  }
0x111: {  	s12 =	simm.s32 @!p2 $0x3F0  }
0x112: {  	v16 =	vor.u32 v6, v13;
	[tilespmem:s12+$0x10600] =	vst.msk vm1, v14  }
0x113: {  	[tilespmem:s12+$0x10A80] =	vst.msk vm1, v16  }
0x114: {  	v14 =	vld.idx.msk [tilespmem:v15+s18+$0x0], $0xffff;
	_ =	sdelay $0x4  }
0x115: {  	v11 =	vor.u32 v8, v11;
	s13 =	spop (v2sf)  }
0x116: {  	vm1 =	vle.f32 v14, v10;
	s12 =	sadd.s32 s12, s13  }
0x117: {  	v15 =	vsel vm1, $0x1, v0;
	p2 =	slt.s32 s12, $0x3F0  }
0x118: {  	v16 =	vor.u32 v7, v13;
	s12 =	simm.s32 @!p2 $0x3F0;
	(xrf0) =	vadd.scan.msk.s32 $0xffff, v15  }
0x119: {  	[tilespmem:s12+$0x10600] =	vst.msk vm1, v14  }
0x11a: {  	[tilespmem:s12+$0x10A80] =	vst.msk vm1, v16  }
0x11b: {  	v14 =	vld.idx.msk [tilespmem:v11+s18+$0x0], $0xffff;
	_ =	sdelay $0x2  }
0x11c: {  	v11, _, _ =	vpop (xrf0)  }
0x11d: {  	(v2sf) =	vpush v11, $0xF;
	_ =	sdelay $0x1  }
0x11e: {  	vm1 =	vle.f32 v14, v10  }
0x11f: {  	v11 =	vsel vm1, $0x1, v0  }
0x120: {  	(xrf0) =	vadd.scan.msk.s32 $0xffff, v11;
	_ =	sdelay $0x5  }
0x121: {  	v11, _, _ =	vpop (xrf0)  }
0x122: {  	(v2sf) =	vpush v11, $0xF;
	_ =	sdelay $0x2  }
0x123: {  	v15 =	vmov s29  }
0x124: {  	v11 =	vshll.u32 v15, $0x7;
	s13 =	spop (v2sf)  }
0x125: {  	v16 =	vor.u32 v1, v11;
	s12 =	sadd.s32 s12, s13  }
0x126: {  	p2 =	slt.s32 s12, $0x3F0  }
0x127: {  	s12 =	simm.s32 @!p2 $0x3F0  }
0x128: {  	v13 =	vor.u32 v8, v13;
	[tilespmem:s12+$0x10600] =	vst.msk vm1, v14  }
0x129: {  	[tilespmem:s12+$0x10A80] =	vst.msk vm1, v13  }
0x12a: {  	v14 =	vld.idx.msk [tilespmem:v16+s18+$0x0], $0xffff  }
0x12b: {  	v13 =	vld.idx.msk [tilespmem:v15+s17+$0x0], $0xffff  }
.Ltmp12:
0x12c: {  	(pc) =	sbr.rel @p1 .LBB2_16-.Ltmp12, $3  }
0x12d: {  	_ =	sdelay $0x1  }
0x12e: {  	v15 =	vor.u32 v2, v11;
	s13 =	spop (v2sf)  }
0x12f: {  	vm1 =	vle.f32 v14, v10;
	s12 =	sadd.s32 s12, s13  }
.LBB2_17:
0x130: {  	p1 =	slt.s32 @p0 s12, $0x3F0  }
0x131: {  	p1 =	por !p1, !p0  }
0x132: {  	v12 =	vsub.s32 v13, v12;
	s12 =	simm.s32 @p1 $0x3F0  }
0x133: {  	v12 =	vshll.u32 v12, $0x7;
	s10 =	smov.u32 @p0 s12  }
0x134: {  	v42 =	vsel vm1, $0x1, v0;
	v16 =	vor.u32 v1, v12;
	[tilespmem:s10+$0x10600] =	vst.msk vm1, v14  }
0x135: {  	(xrf0) =	vadd.scan.msk.s32 $0xffff, v42;
	[tilespmem:s10+$0x10A80] =	vst.msk vm1, v16  }
0x136: {  	v43 =	vld.idx.msk [tilespmem:v15+s18+$0x0], $0xffff;
	_ =	sdelay $0x4  }
0x137: {  	v44, _, _ =	vpop (xrf0);
	vm1 =	vle.f32 v43, v10  }
0x138: {  	(v2sf) =	vpush v44, $0xF;
	v45 =	vsel vm1, $0x1, v0  }
0x139: {  	(xrf0) =	vadd.scan.msk.s32 $0xffff, v45;
	_ =	sdelay $0x5  }
0x13a: {  	v14, _, _ =	vpop (xrf0)  }
0x13b: {  	(v2sf) =	vpush v14, $0xF;
	_ =	sdelay $0x6  }
0x13c: {  	s9 =	spop (v2sf)  }
0x13d: {  	v46 =	vor.u32 v3, v11;
	s9 =	sadd.s32 s10, s9  }
0x13e: {  	p0 =	slt.s32 s9, $0x3F0  }
0x13f: {  	s9 =	simm.s32 @!p0 $0x3F0  }
0x140: {  	v47 =	vor.u32 v2, v12;
	[tilespmem:s9+$0x10600] =	vst.msk vm1, v43  }
0x141: {  	[tilespmem:s9+$0x10A80] =	vst.msk vm1, v47  }
0x142: {  	v13 =	vld.idx.msk [tilespmem:v46+s18+$0x0], $0xffff;
	_ =	sdelay $0x1  }
0x143: {  	s12 =	spop (v2sf)  }
0x144: {  	v48 =	vor.u32 v4, v11;
	s9 =	sadd.s32 s9, s12  }
0x145: {  	p0 =	slt.s32 s9, $0x3F0  }
0x146: {  	vm1 =	vle.f32 v13, v10;
	s9 =	simm.s32 @!p0 $0x3F0  }
0x147: {  	v50 =	vor.u32 v3, v12;
	v49 =	vsel vm1, $0x1, v0;
	[tilespmem:s9+$0x10600] =	vst.msk vm1, v13  }
0x148: {  	(xrf0) =	vadd.scan.msk.s32 $0xffff, v49;
	[tilespmem:s9+$0x10A80] =	vst.msk vm1, v50  }
0x149: {  	v13 =	vld.idx.msk [tilespmem:v48+s18+$0x0], $0xffff;
	_ =	sdelay $0x4  }
0x14a: {  	v51, _, _ =	vpop (xrf0);
	vm1 =	vle.f32 v13, v10  }
0x14b: {  	(v2sf) =	vpush v51, $0xF;
	v52 =	vsel vm1, $0x1, v0  }
0x14c: {  	(xrf0) =	vadd.scan.msk.s32 $0xffff, v52;
	_ =	sdelay $0x5  }
0x14d: {  	v14, _, _ =	vpop (xrf0)  }
0x14e: {  	(v2sf) =	vpush v14, $0xF;
	_ =	sdelay $0x6  }
0x14f: {  	s13 =	spop (v2sf)  }
0x150: {  	v53 =	vor.u32 v5, v11;
	s9 =	sadd.s32 s9, s13  }
0x151: {  	p0 =	slt.s32 s9, $0x3F0  }
0x152: {  	s9 =	simm.s32 @!p0 $0x3F0  }
0x153: {  	v54 =	vor.u32 v4, v12;
	[tilespmem:s9+$0x10600] =	vst.msk vm1, v13  }
0x154: {  	[tilespmem:s9+$0x10A80] =	vst.msk vm1, v54  }
0x155: {  	v13 =	vld.idx.msk [tilespmem:v53+s18+$0x0], $0xffff;
	_ =	sdelay $0x1  }
0x156: {  	s29 =	spop (v2sf)  }
0x157: {  	v55 =	vor.u32 v6, v11;
	s9 =	sadd.s32 s9, s29  }
0x158: {  	p0 =	slt.s32 s9, $0x3F0  }
0x159: {  	vm1 =	vle.f32 v13, v10;
	s9 =	simm.s32 @!p0 $0x3F0  }
0x15a: {  	v57 =	vor.u32 v5, v12;
	v56 =	vsel vm1, $0x1, v0;
	[tilespmem:s9+$0x10600] =	vst.msk vm1, v13  }
0x15b: {  	(xrf0) =	vadd.scan.msk.s32 $0xffff, v56;
	[tilespmem:s9+$0x10A80] =	vst.msk vm1, v57  }
0x15c: {  	v13 =	vld.idx.msk [tilespmem:v55+s18+$0x0], $0xffff;
	_ =	sdelay $0x4  }
0x15d: {  	v58, _, _ =	vpop (xrf0);
	vm1 =	vle.f32 v13, v10  }
0x15e: {  	(v2sf) =	vpush v58, $0xF;
	v59 =	vsel vm1, $0x1, v0  }
0x15f: {  	(xrf0) =	vadd.scan.msk.s32 $0xffff, v59;
	_ =	sdelay $0x5  }
0x160: {  	v14, _, _ =	vpop (xrf0)  }
0x161: {  	(v2sf) =	vpush v14, $0xF;
	_ =	sdelay $0x6  }
0x162: {  	s11 =	spop (v2sf)  }
0x163: {  	v60 =	vor.u32 v7, v11;
	s9 =	sadd.s32 s9, s11  }
0x164: {  	p0 =	slt.s32 s9, $0x3F0  }
0x165: {  	s9 =	simm.s32 @!p0 $0x3F0  }
0x166: {  	v61 =	vor.u32 v6, v12;
	[tilespmem:s9+$0x10600] =	vst.msk vm1, v13  }
0x167: {  	[tilespmem:s9+$0x10A80] =	vst.msk vm1, v61  }
0x168: {  	v13 =	vld.idx.msk [tilespmem:v60+s18+$0x0], $0xffff;
	_ =	sdelay $0x1  }
0x169: {  	s12 =	spop (v2sf)  }
0x16a: {  	v11 =	vor.u32 v8, v11;
	s9 =	sadd.s32 s9, s12  }
0x16b: {  	p0 =	slt.s32 s9, $0x3F0  }
0x16c: {  	vm1 =	vle.f32 v13, v10;
	s9 =	simm.s32 @!p0 $0x3F0  }
0x16d: {  	v62 =	vor.u32 v7, v12;
	[tilespmem:s9+$0x10600] =	vst.msk vm1, v13  }
0x16e: {  	[tilespmem:s9+$0x10A80] =	vst.msk vm1, v62  }
0x16f: {  	v11 =	vld.idx.msk [tilespmem:v11+s18+$0x0], $0xffff;
	_ =	sdelay $0x2  }
0x170: {  	v63 =	vsel vm1, $0x1, v0  }
0x171: {  	(xrf0) =	vadd.scan.msk.s32 $0xffff, v63  }
0x172: {  	vm1 =	vle.f32 v11, v10  }
0x173: {  	v10 =	vsel vm1, $0x1, v0  }
0x174: {  	(xrf0) =	vadd.scan.msk.s32 $0xffff, v10;
	_ =	sdelay $0x2  }
0x175: {  	v10, _, _ =	vpop (xrf0)  }
0x176: {  	(v2sf) =	vpush v10, $0xF;
	_ =	sdelay $0x1  }
0x177: {  	v10, _, _ =	vpop (xrf0)  }
0x178: {  	(v2sf) =	vpush v10, $0xF;
	_ =	sdelay $0xb  }
0x179: {  	s13 =	spop (v2sf)  }
0x17a: {  	s9 =	sadd.s32 s9, s13  }
0x17b: {  	p0 =	slt.s32 s9, $0x3F0  }
0x17c: {  	s9 =	simm.s32 @!p0 $0x3F0;
	s29 =	spop (v2sf)  }
0x17d: {  	s11 =	sadd.s32 s9, s29  }
0x17e: {  	v10 =	vor.u32 v8, v12;
	[tilespmem:s9+$0x10600] =	vst.msk vm1, v11;
	p0 =	slt.s32 s11, $0x3F0  }
0x17f: {  	[tilespmem:s9+$0x10A80] =	vst.msk vm1, v10;
	s11 =	simm.s32 @!p0 $0x3F0  }
.LBB2_18:
.Ltmp13:
0x180: {  	(pc) =	sbr.rel .LBB2_19-.Ltmp13, $4  }
0x181: {  	_ = 	snop  }
0x182: {  	s9 =	sadd.s32 $0xF, s11  }
0x183: {  	s9 =	sshra.s32 s9, $0x4  }
0x184: {  	[tilespmem:s11+$0x10600] =	vst v9;
	p0 =	slt.s32 s9, $0x1  }
.LBB2_20:
0x185: {  	v11 =	vimm.s32 $0xC0000000  }
.LBB2_24:
0x186: {  	(xrf0) =	vmin.scan.msk.f32 $0xffff, v10;
	_ =	sdelay $0x5  }
0x187: {  	v12, _, _ =	vpop (xrf0)  }
0x188: {  	v12 =	vbroadcast v12, $0xF;
	_ =	sdelay $0x1  }
0x189: {  	vm1 =	veq.f32 v10, v12  }
0x18a: {  	v10 =	vnsel vm1, $0xC0000000, v11  }
0x18b: {  	(xrf0) =	vmin.scan.msk.u32 $0xffff, v10;
	_ =	sdelay $0x5  }
0x18c: {  	v10, _, _ =	vpop (xrf0)  }
0x18d: {  	(v2sf) =	vpush v10, $0xF;
	_ =	sdelay $0xe  }
0x18e: {  	s10 =	spop (v2sf)  }
0x18f: {  	s10 =	sxor.u32 $0x80000000, s10  }
0x190: {  	v10 =	vmov s10;
	_ =	sdelay $0x3  }
0x191: {  	v11 =	vmov s8  }
0x192: {  	s8 =	sadd.s32 $0x1, s8;
	v13 =	vld.idx.msk [tilespmem:v10+s19+$0x0], $0xffff  }
0x193: {  	p1 =	sne.s32 s8, $0x20  }
.Ltmp14:
0x194: {  	_ = 	snop;
	(pc) =	sbr.rel @!p1 .LBB2_25-.Ltmp14, $4  }
0x195: {  	_ = 	snop  }
0x196: {  	[tilespmem:v11+s20+$0x0] =	vst.idx.msk $0x1, v12  }
0x197: {  	[tilespmem:v11+s21+$0x0] =	vst.idx.msk $0x1, v13  }
0x198: {  	[tilespmem:v10+s22+$0x0] =	vst.idx.msk $0x1, v9  }
.LBB2_19:
.Ltmp15:
0x199: {  	(pc) =	sbr.rel @p0 .LBB2_20-.Ltmp15, $2  }
0x19a: {  	_ =	sdelay $0x2  }
0x19b: {  	v10 =	vimm.f32 $1.000000020e+30  }
0x19c: {  	s10 =	simm.s32 $0x10600  }
0x19d: {  	p1 =	sne.s32 s9, $0x1;
	v11 =	vld [tilespmem:s10+$0x0]  }
.Ltmp16:
0x19e: {  	_ = 	snop;
	(pc) =	sbr.rel @!p1 .LBB2_23-.Ltmp16, $3  }
0x19f: {  	_ =	sdelay $0x1  }
0x1a0: {  	s10 =	simm.s32 $0x0  }
0x1a1: {  	v12 =	vimm.s32 $0x40000000;
	s11 =	sadd.s32 $0xFFFFFFFF, s9;
	s12 =	simm.s32 $0x10610;
	v13 =	vor.u32 s10, v1;
	vm1 =	vlt.f32 v11, v10  }
.LBB2_22:
0x1a2: {  	p1 =	sne.s32 s11, $0x1;
	s11 =	sadd.s32 $0xFFFFFFFF, s11;
	v10 =	vsel vm1, v11, v10;
	v11 =	vld [tilespmem:s12+$0x0];
	v12 =	vsel vm1, v13, v12  }
.Ltmp17:
0x1a3: {  	(pc) =	sbr.rel @p1 .LBB2_22-.Ltmp17, $3  }
0x1a4: {  	_ =	sdelay $0x1  }
0x1a5: {  	s10 =	sadd.s32 $0x10, s10  }
0x1a6: {  	s12 =	sadd.s32 $0x10, s12;
	v13 =	vor.u32 s10, v1;
	vm1 =	vlt.f32 v11, v10  }
.LBB2_23:
.Ltmp18:
0x1a7: {  	(pc) =	sbr.rel .LBB2_24-.Ltmp18, $3  }
0x1a8: {  	_ =	sdelay $0x1  }
0x1a9: {  	v12 =	vsel vm1, v13, v12  }
0x1aa: {  	v10 =	vsel vm1, v11, v10;
	v11 =	vxor.u32 $0x80000000, v12  }
.LBB2_25:
0x1ab: {  	v10 =	vld [tilespmem:$0x10F00]  }
0x1ac: {  	v11 =	vld [tilespmem:$0x10F10];
	_ =	sdelay $0x3  }
0x1ad: {  	v10 =	vadd.f32 $1.000000050e-03, v10  }
0x1ae: {  	v11 =	vadd.f32 $1.000000050e-03, v11  }
0x1af: {  	(erf) = vrcp.f32 v10  }
0x1b0: {  	(erf) = vrcp.f32 v11;
	_ =	sdelay $0x7  }
0x1b1: {  	v12 =	vpop (erf)  }
0x1b2: {  	v13 =	vmul.f32 v12, v10;
	v14 =	vpop (erf)  }
0x1b3: {  	v15 =	vmul.f32 v14, v11  }
0x1b4: {  	v13 =	vsub.f32 $2.000000000e+00, v13  }
0x1b5: {  	v15 =	vsub.f32 $2.000000000e+00, v15  }
0x1b6: {  	v12 =	vmul.f32 v13, v12  }
0x1b7: {  	v13 =	vmul.f32 v15, v14  }
0x1b8: {  	v10 =	vmul.f32 v12, v10  }
0x1b9: {  	v11 =	vmul.f32 v13, v11  }
0x1ba: {  	v10 =	vsub.f32 $2.000000000e+00, v10  }
0x1bb: {  	v11 =	vsub.f32 $2.000000000e+00, v11  }
0x1bc: {  	v10 =	vmul.f32 v10, v12  }
0x1bd: {  	v11 =	vmul.f32 v11, v13  }
0x1be: {  	(xrf2) =	vadd.scan.msk.f32 $0xffff, v10  }
0x1bf: {  	(xrf2) =	vadd.scan.msk.f32 $0xffff, v11;
	_ =	sdelay $0x8  }
0x1c0: {  	v12, _, _ =	vpop (xrf2)  }
0x1c1: {  	(v2sf) =	vpush v12, $0xF;
	v12, _, _ =	vpop (xrf2)  }
0x1c2: {  	(v2sf) =	vpush v12, $0xF;
	_ =	sdelay $0xd  }
0x1c3: {  	s8 =	spop (v2sf)  }
0x1c4: {  	s9 =	spop (v2sf)  }
0x1c5: {  	s8 =	sadd.f32 s9, s8;
	_ =	sdelay $0x1  }
0x1c6: {  	v12 =	vmov s8  }
0x1c7: {  	(erf) = vrcp.f32 v12;
	_ =	sdelay $0x8  }
0x1c8: {  	v12 =	vpop (erf)  }
0x1c9: {  	v13 =	vmul.f32 s8, v12;
	_ =	sdelay $0x1  }
0x1ca: {  	v13 =	vsub.f32 $2.000000000e+00, v13;
	_ =	sdelay $0x1  }
0x1cb: {  	v12 =	vmul.f32 v13, v12;
	_ =	sdelay $0x1  }
0x1cc: {  	v13 =	vmul.f32 s8, v12;
	_ =	sdelay $0x1  }
0x1cd: {  	v13 =	vsub.f32 $2.000000000e+00, v13;
	_ =	sdelay $0x1  }
0x1ce: {  	v12 =	vmul.f32 v13, v12;
	_ =	sdelay $0x1  }
0x1cf: {  	v10 =	vmul.f32 v12, v10  }
0x1d0: {  	s13 =	simm.s32 $0x0;
	v11 =	vmul.f32 v12, v11  }
0x1d1: {  	[tilespmem:$0x11000] =	vst v10;
	v10 =	vmov s13  }
0x1d2: {  	[tilespmem:$0x11010] =	vst v11;
	v11 =	vshll.u32 v10, $0x7  }
0x1d3: {  	[tilespmem:s23], [sflag:$0x1] =	stream.indirect.gather [hbm4b:s5+s15], $0x80, s21, s15, $0xb8;
	v12 =	vor.u32 v1, v11;
	[tilespmem:$0x13180] =	vst v63  }
0x1d4: {  	_ =	swait.ge [sflag:s16], $0x1000  }
0x1d5: {  	s29 =	simm.s32 $0x1;
	[sflag:s16] =	ssyncset.done $0x0  }
0x1d6: {  	v13 =	vmov s29;
	[sflag:s16] =	ssyncadd.s32 $0xFFFFF000  }
0x1d7: {  	v14 =	vshll.u32 v13, $0x7;
	v11 =	vld.idx.msk [tilespmem:v10+s24+$0x0], $0xffff  }
0x1d8: {  	s8 =	simm.s32 $0x2;
	v14 =	vor.u32 v1, v14;
	v10 =	vimm.f32 $0.0e+00;
	v12 =	vld.idx.msk [tilespmem:v12+s23+$0x0], $0xffff  }
.LBB2_26:
0x1d9: {  	_ = 	snop  }
0x1da: {  	p0 =	sne.s32 s8, $0x1F  }
.Ltmp19:
0x1db: {  	_ = 	snop;
	(pc) =	sbr.rel @p0 .LBB2_26-.Ltmp19, $4  }
0x1dc: {  	v15 =	vmov v11  }
0x1dd: {  	v11 =	vld.idx.msk [tilespmem:v13+s24+$0x0], $0xffff;
	v13 =	vmov s8;
	v15 =	vmul.f32 v12, v15  }
0x1de: {  	v16 =	vshll.u32 v13, $0x7  }
0x1df: {  	s8 =	sadd.s32 $0x1, s8;
	v12 =	vld.idx.msk [tilespmem:v14+s23+$0x0], $0xffff;
	v14 =	vor.u32 v1, v16;
	v10 =	vadd.f32 v15, v10  }
0x1e0: {  	_ = 	snop  }
0x1e1: {  	s0 =	sshll.u32 s0, $0xA  }
0x1e2: {  	s0 =	sor.u32 s1, s0  }
0x1e3: {  	s0 =	sshrl.u32 s0, $0x3  }
0x1e4: {  	v13 =	vld.idx.msk [tilespmem:v13+s24+$0x0], $0xffff;
	s0 =	sadd.s32 s7, s0  }
0x1e5: {  	v14 =	vld.idx.msk [tilespmem:v14+s23+$0x0], $0xffff;
	[tilespmem:s25], [sflag:$0x2] =	stream.linear.gather [hbm4b:s0+s2], $0x80, $0x38  }
0x1e6: {  	_ =	swait.ge [sflag:s14], $0x80  }
0x1e7: {  	[sflag:s14] =	ssyncset.done $0x0  }
0x1e8: {  	v11 =	vmul.f32 v12, v11;
	[sflag:s14] =	ssyncadd.s32 $0xFFFFFF80  }
0x1e9: {  	v61 =	vld [tilespmem:$0x13100]  }
0x1ea: {  	v10 =	vadd.f32 v11, v10;
	v11 =	vmul.f32 v14, v13;
	_ =	sdelay $0x1  }
0x1eb: {  	v10 =	vadd.f32 v11, v10;
	_ =	sdelay $0x1  }
0x1ec: {  	v10 =	vadd.f32 v61, v10;
	_ =	sdelay $0x1  }
0x1ed: {  	v10 =	vmul.f32 $5.000000000e-01, v10;
	_ =	sdelay $0x1  }
0x1ee: {  	v11 =	vnsel vm0, $0xF149F2CA, v10  }
0x1ef: {  	(xrf0) =	vmax.scan.msk.f32 $0xffff, v11;
	_ =	sdelay $0x5  }
0x1f0: {  	v62, _, _ =	vpop (xrf0)  }
0x1f1: {  	v12 =	vbroadcast v62, $0xF;
	_ =	sdelay $0x1  }
0x1f2: {  	vm1 =	veq.f32 v11, v12;
	v11 =	vor.u32 $0x80000000, v1  }
0x1f3: {  	v11 =	vnsel vm1, $0x80000040, v11  }
0x1f4: {  	(xrf0) =	vmin.scan.msk.u32 $0xffff, v11;
	_ =	sdelay $0x5  }
0x1f5: {  	v11, _, _ =	vpop (xrf0)  }
0x1f6: {  	(v2sf) =	vpush v11, $0xF;
	_ =	sdelay $0x9  }
0x1f7: {  	v11 =	vmov s31  }
0x1f8: {  	v63 =	vshll.u32 v11, $0x7  }
0x1f9: {  	s31 =	sadd.s32 $0x1, s31;
	v12 =	vor.u32 v1, v63  }
0x1fa: {  	p0 =	sne.s32 s31, $0x20  }
.Ltmp20:
0x1fb: {  	_ = 	snop;
	(pc) =	sbr.rel @p0 .LBB2_2-.Ltmp20, $4  }
.Ltmp21:
0x1fc: {  	s29 =	spop (v2sf);
	(pc) =	sbr.rel @!p0 .LBB2_28-.Ltmp21, $4  }
0x1fd: {  	s0 =	sxor.u32 $0x80000000, s29  }
0x1fe: {  	[tilespmem:v12+s26+$0x0] =	vst.idx.msk $0xffff, v10;
	v10 =	vmov s0  }
0x1ff: {  	s30 =	sadd.s32 $0x310, s30;
	[tilespmem:v11+s28+$0x0] =	vst.idx.msk $0x1, v10  }
0x200: {  	_ = 	snop  }
.LBB2_14:
.Ltmp22:
0x201: {  	(pc) =	sbr.rel .LBB2_17-.Ltmp22, $2  }
0x202: {  	_ =	sdelay $0x2  }
0x203: {  	_ = 	snop  }
.LBB2_29:
0x204: {  	_ =	sfence.sel $0x180000  }
0x205: {  	[bflag:$0x0] =	sbarrier.arrive $0xFFFF  }
0x206: {  	_ =	strace $0x90000047  }
0x207: {  	s0 =	stileid.u32;
	[bflag:$0x2] =	sbarrier.arrive $0xFFFF  }
0x208: {  	p0 =	sne.s32 s0, $0x0;
	s0 =	rddreg [dreg:$0x2]  }
0x209: {  	s0 =	sadd.s32 @!p0 $0x100000, s0  }
0x20a: {  	[sflag:s0] =	ssyncadd.tile.s32 @!p0 $0x1;
	_ =	shalt  }
.Lfunc_end2:
_tile_overlayer_lowered:
.L_overlay_start_2:
0x20b: {  	(tag) =	ssettag $0x2  }
0x20c: {  	s0 =	rddreg [dreg:$0x0];
	s2 =	stileid.u32  }
0x20d: {  	s1 =	rddreg [dreg:$0x1];
	p0 =	sne.s32 s2, $0x0  }
0x20e: {  	s3 =	rddreg [dreg:$0x2];
	[bflag:$0x3] =	sbarrier.arrive $0xFFFF;
	s2 =	simm.s32 @!p0 $0x1C02  }
0x20f: {  	[timem:s3], [sflag:s2] =	dma.local @!p0 [hbm:s0], s1  }
0x210: {  	s0 =	simm.s32 @!p0 $0x2  }
0x211: {  	_ =	swait.ge @!p0 [sflag:s0], s1  }
0x212: {  	s1 =	ssub.s32 @!p0 $0x0, s1;
	[sflag:s0] =	ssyncset.done @!p0 $0x0  }
0x213: {  	[sflag:s0] =	ssyncadd.s32 @!p0 s1  }
0x214: {  	[bflag:$0x3] =	sbarrier.arrive $0xFFFF  }
0x215: {  	_ =	shalt  }

</sc_bundles>
